<compile_context>
chip_gen: v7x
topology: tpu7x:2x2x1
jax: 0.10.2.dev20260603
libtpu: 0.0.44.dev20260713+nightly
codegen_flags: <defaults>
</compile_context>

<pallas_src>
import functools

import jax
import jax.numpy as jnp
from jax import lax
from jax.experimental import pallas as pl
from jax.experimental.pallas import tpu as pltpu
from jax.experimental.pallas import tpu_sc as plsc

N = 10000
E = 320000
D = 128

NC = 2
NS = 16
NW = NC * NS
C = 80
NCHUNK = 125
EPW = C * NCHUNK
NT = N + NS
RSTRIPE = 640
ZR = 80
CNT_CH = 2000


def _sc_body(x_hbm, src_hbm, dst_hbm, agg_out, cnt_out,
             src0_v, src1_v, src2_v, dst0_v, dst1_v, dst2_v,
             rows0_v, rows1_v, rows2_v, ones_v, zbuf, zc,
             agg_sh, cnt_sh, gsem, isem):
    s = lax.axis_index("s")
    c = lax.axis_index("c")
    wid = s * NC + c

    zero16 = jnp.zeros((16,), jnp.float32)
    one16 = jnp.ones((16,), jnp.float32)

    def fill_zbuf(i, _):
        for j in range(D // 16):
            zbuf[i, pl.ds(j * 16, 16)] = zero16
        return 0
    lax.fori_loop(0, ZR, fill_zbuf, 0)

    def fill_ones(k, _):
        ones_v[pl.ds(k * 16, 16)] = one16
        return 0
    lax.fori_loop(0, C // 16, fill_ones, 0)

    def fill_zc(k, _):
        zc[pl.ds(k * 16, 16)] = zero16
        return 0
    lax.fori_loop(0, CNT_CH // 16, fill_zc, 0)

    row0 = s * RSTRIPE
    nzero = jnp.where(s == NS - 1, (N - (NS - 1) * RSTRIPE) // ZR,
                      RSTRIPE // ZR)

    def zero_stripe(r, _):
        pltpu.sync_copy(zbuf, agg_sh.at[pl.ds(row0 + r * ZR, ZR), :])
        return 0
    lax.fori_loop(0, nzero, zero_stripe, 0)

    @pl.when(s == 0)
    def _():
        for i in range(N // CNT_CH):
            pltpu.sync_copy(zc, cnt_sh.at[pl.ds(i * CNT_CH, CNT_CH)])

    plsc.subcore_barrier()

    base0 = wid * EPW
    srcs = (src0_v, src1_v, src2_v)
    dsts = (dst0_v, dst1_v, dst2_v)
    rows = (rows0_v, rows1_v, rows2_v)
    isems = (isem.at[0], isem.at[1], isem.at[2])
    gsems = (gsem.at[0], gsem.at[1], gsem.at[2])
    NB = 3

    def load_idx(i, p):
        base = base0 + i * C
        pltpu.async_copy(src_hbm.at[pl.ds(base, C)], srcs[p], isems[p])
        pltpu.async_copy(dst_hbm.at[pl.ds(base, C)], dsts[p], isems[p])

    def wait_idx(p):
        pltpu.make_async_copy(src_hbm.at[pl.ds(0, C)], srcs[p], isems[p]).wait()
        pltpu.make_async_copy(dst_hbm.at[pl.ds(0, C)], dsts[p], isems[p]).wait()

    load_idx(0, 0)
    load_idx(1, 1)
    wait_idx(0)
    pltpu.async_copy(x_hbm.at[srcs[0]], rows[0], gsems[0])
    wait_idx(1)
    pltpu.async_copy(x_hbm.at[srcs[1]], rows[1], gsems[1])
    load_idx(2, 2)

    def outer(k, _):
        for p in range(NB):
            i = NB * k + p

            @pl.when(i < NCHUNK)
            def _():
                pltpu.make_async_copy(x_hbm.at[srcs[p]], rows[p],
                                      gsems[p]).wait()
                p2 = (p + 2) % NB

                @pl.when(i + 2 < NCHUNK)
                def _():
                    wait_idx(p2)
                    pltpu.async_copy(x_hbm.at[srcs[p2]], rows[p2],
                                     gsems[p2])

                pltpu.sync_copy(rows[p], agg_sh.at[dsts[p]], add=True)
                pltpu.sync_copy(ones_v, cnt_sh.at[dsts[p]], add=True)

                @pl.when(i + 3 < NCHUNK)
                def _():
                    load_idx(i + 3, p)
        return 0
    lax.fori_loop(0, (NCHUNK + NB - 1) // NB, outer, 0)

    plsc.subcore_barrier()

    nout = jnp.where(s == NS - 1, (N - (NS - 1) * RSTRIPE) // ZR,
                     RSTRIPE // ZR)

    def out_stripe(r, _):
        rb = row0 + r * ZR
        pltpu.sync_copy(agg_sh.at[pl.ds(rb, ZR), :], zbuf)
        pltpu.sync_copy(zbuf, agg_out.at[c, pl.ds(rb, ZR), :])
        return 0
    lax.fori_loop(0, nout, out_stripe, 0)

    @pl.when(s == 0)
    def _():
        for i in range(N // CNT_CH):
            pltpu.sync_copy(cnt_sh.at[pl.ds(i * CNT_CH, CNT_CH)], zc)
            pltpu.sync_copy(zc, cnt_out.at[pl.ds(c * N + i * CNT_CH, CNT_CH)])


_sc_aggregate = functools.partial(
    pl.kernel,
    out_type=[
        jax.ShapeDtypeStruct((NC, N, D), jnp.float32),
        jax.ShapeDtypeStruct((NC * N,), jnp.float32),
    ],
    mesh=plsc.VectorSubcoreMesh(core_axis_name="c", subcore_axis_name="s"),
    scratch_types=[
        pltpu.VMEM((C,), jnp.int32),
        pltpu.VMEM((C,), jnp.int32),
        pltpu.VMEM((C,), jnp.int32),
        pltpu.VMEM((C,), jnp.int32),
        pltpu.VMEM((C,), jnp.int32),
        pltpu.VMEM((C,), jnp.int32),
        pltpu.VMEM((C, D), jnp.float32),
        pltpu.VMEM((C, D), jnp.float32),
        pltpu.VMEM((C, D), jnp.float32),
        pltpu.VMEM((C,), jnp.float32),
        pltpu.VMEM((ZR, D), jnp.float32),
        pltpu.VMEM((CNT_CH,), jnp.float32),
        pltpu.VMEM_SHARED((NT, D), jnp.float32),
        pltpu.VMEM_SHARED((NT,), jnp.float32),
        pltpu.SemaphoreType.DMA((3,)),
        pltpu.SemaphoreType.DMA((3,)),
    ],
)(_sc_body)


def _split_body(ei_ref, src_ref, dst_ref):
    ei = ei_ref[...]
    src_ref[...] = ei[0]
    dst_ref[...] = ei[1]


def _split_edges(edge_index):
    return pl.pallas_call(
        _split_body,
        out_shape=[
            jax.ShapeDtypeStruct((E,), jnp.int32),
            jax.ShapeDtypeStruct((E,), jnp.int32),
        ],
    )(edge_index)


B = 2000


def _tc_body(agg_ref, cnt_ref, x_ref, rr_ref, wl_ref, bl_ref,
             wr_ref, ws_ref, bs_ref, alpha_ref, out_ref):
    agg = agg_ref[0] + agg_ref[1]
    cnt = cnt_ref[pl.ds(0, N)] + cnt_ref[pl.ds(N, N)]
    mean = agg / jnp.maximum(cnt, 1.0)[:, None]
    h = (jnp.dot(mean, wl_ref[...], preferred_element_type=jnp.float32)
         + bl_ref[...]
         + jnp.dot(x_ref[...], wr_ref[...], preferred_element_type=jnp.float32))
    h = jnp.maximum(h, 0.0) + x_ref[...]
    score = jnp.sum(h * ws_ref[...], axis=1) + bs_ref[0, 0]
    a = jax.nn.sigmoid(alpha_ref[0, 0])
    out_ref[...] = a * rr_ref[...] + (1.0 - a) * score


def _tc_finish(agg, cnt_flat, x, rr, W_l, bl2, W_r, ws2, bs2, alpha2):
    return pl.pallas_call(
        _tc_body,
        out_shape=jax.ShapeDtypeStruct((N,), jnp.float32),
    )(agg, cnt_flat, x, rr, W_l, bl2, W_r, ws2, bs2, alpha2)


def kernel(x, edge_index, reranker_scores, W_l, b_l, W_r, W_score, b_score,
           alpha):
    srcp, dstp = _split_edges(edge_index)
    agg_parts, cnt_parts = _sc_aggregate(x, srcp, dstp)
    return _tc_finish(
        agg_parts,
        cnt_parts,
        x,
        reranker_scores,
        W_l,
        b_l.reshape(1, D),
        W_r,
        W_score.reshape(1, D),
        b_score.reshape(1, 1),
        alpha.reshape(1, 1),
    )

# --- scband reference (transcript-rebuilt; emitter-appended) ---
"""Pipeline reference for scband-sageresidual-reranker-48885317763315 (READ-ONLY COPY).

The authoritative reference and input builder live on the scoring server;
editing this copy changes nothing except your own understanding.
"""

import jax, jax.numpy as jnp
import numpy as np

N = 10000
E = 320000
D = 128


def setup_inputs(seed: int = 0) -> dict:
    key = jax.random.key(seed)
    ks = jax.random.split(key, 9)
    x = jax.random.normal(ks[0], (N, D), dtype=jnp.float32)
    edge_index = jax.random.randint(ks[1], (2, E), 0, N, dtype=jnp.int32)
    reranker_scores = jax.random.normal(ks[2], (N,), dtype=jnp.float32)
    scale = 1.0 / np.sqrt(D)
    W_l = jax.random.uniform(ks[3], (D, D), minval=-scale, maxval=scale, dtype=jnp.float32)
    b_l = jax.random.uniform(ks[4], (D,), minval=-scale, maxval=scale, dtype=jnp.float32)
    W_r = jax.random.uniform(ks[5], (D, D), minval=-scale, maxval=scale, dtype=jnp.float32)
    W_score = jax.random.uniform(ks[6], (D, 1), minval=-scale, maxval=scale, dtype=jnp.float32)
    b_score = jax.random.uniform(ks[7], (1,), minval=-scale, maxval=scale, dtype=jnp.float32)
    alpha = jnp.asarray(0.65, dtype=jnp.float32)
    return {"x": x, "edge_index": edge_index, "reranker_scores": reranker_scores,
            "W_l": W_l, "b_l": b_l, "W_r": W_r, "W_score": W_score, "b_score": b_score,
            "alpha": alpha}


def reference(x, edge_index, reranker_scores, W_l, b_l, W_r, W_score, b_score, alpha):
    src = edge_index[0]
    dst = edge_index[1]
    # SAGEConv (mean aggregation): out = lin_l(mean_agg(x_src -> dst)) + lin_r(x)
    msg = jnp.take(x, src, axis=0)
    agg = jax.ops.segment_sum(msg, dst, num_segments=N)
    cnt = jax.ops.segment_sum(jnp.ones((E,), dtype=jnp.float32), dst, num_segments=N)
    mean_agg = agg / jnp.clip(cnt, 1.0, None)[:, None]
    h = mean_agg @ W_l + b_l + x @ W_r
    h = jax.nn.relu(h)
    # dropout is identity at inference (p=0.05, eval mode)
    # residual (input_dim == hidden_dim, so no projection)
    h = h + x
    gnn_scores = (h @ W_score + b_score)[:, 0]
    a = jax.nn.sigmoid(alpha)
    return a * reranker_scores + (1.0 - a) * gnn_scores

if __name__ == "__main__":
    import jax
    _d = setup_inputs()
    print(jax.jit(kernel)(*tuple(_d.values())))

</pallas_src>

<mosaic_0001>
#map = affine_map<(d0, d1) -> (0, 0)>
#map1 = affine_map<(d0, d1) -> (0)>
#map2 = affine_map<(d0, d1) -> (0, 0, 0)>
module attributes {stable_mosaic.version = 14 : i64} {
  func.func @_sc_body(%arg0: i32, %arg1: i32, %arg2: memref<10000x128xf32, #tpu.memory_space<hbm>>, %arg3: memref<320000xi32, #tpu.memory_space<hbm>>, %arg4: memref<320000xi32, #tpu.memory_space<hbm>>, %arg5: memref<2x10000x128xf32, #tpu.memory_space<hbm>>, %arg6: memref<20000xf32, #tpu.memory_space<hbm>>, %arg7: memref<80xi32, #tpu.memory_space<vmem>>, %arg8: memref<80xi32, #tpu.memory_space<vmem>>, %arg9: memref<80xi32, #tpu.memory_space<vmem>>, %arg10: memref<80xi32, #tpu.memory_space<vmem>>, %arg11: memref<80xi32, #tpu.memory_space<vmem>>, %arg12: memref<80xi32, #tpu.memory_space<vmem>>, %arg13: memref<80x128xf32, #tpu.memory_space<vmem>>, %arg14: memref<80x128xf32, #tpu.memory_space<vmem>>, %arg15: memref<80x128xf32, #tpu.memory_space<vmem>>, %arg16: memref<80xf32, #tpu.memory_space<vmem>>, %arg17: memref<80x128xf32, #tpu.memory_space<vmem>>, %arg18: memref<2000xf32, #tpu.memory_space<vmem>>, %arg19: memref<10016x128xf32, #tpu.memory_space<vmem_shared>>, %arg20: memref<10016xf32, #tpu.memory_space<vmem_shared>>, %arg21: memref<3x!tpu.dma_semaphore, #tpu.memory_space<semaphore_mem>>, %arg22: memref<3x!tpu.dma_semaphore, #tpu.memory_space<semaphore_mem>>) attributes {dimension_semantics = [#tpu.dimension_semantics<core_parallel>, #tpu.dimension_semantics<subcore_parallel>], iteration_bounds = array<i64: 2, 16>, scalar_prefetch = 0 : i64, scratch_operands = 16 : i64, tpu.core_type = #tpu.core_type<sc_vector_subcore>, window_params = [{transform_indices = #map}, {transform_indices = #map1}, {transform_indices = #map1}, {transform_indices = #map2}, {transform_indices = #map1}]} {
    %mul3A = arith.constant 2 : i32
    %mul3A_0 = arith.muli %arg1, %mul3A : i32
    %add3A = arith.addi %mul3A_0, %arg0 : i32
    %broadcast_in_dim3A = arith.constant 0.000000e+00 : f32
    %broadcast_in_dim3A_1 = vector.broadcast %broadcast_in_dim3A : f32 to vector<16xf32>
    %broadcast_in_dim3A_2 = arith.constant 1.000000e+00 : f32
    %broadcast_in_dim3A_3 = vector.broadcast %broadcast_in_dim3A_2 : f32 to vector<16xf32>
    %scan3A = arith.constant 0 : i32
    %scan3A_4 = arith.constant 0 : i32
    %scan3A_5 = arith.constant 80 : i32
    %scan3A_6 = arith.addi %scan3A_4, %scan3A_5 : i32
    %scan3A_7 = arith.constant 1 : i32
    %scan3A_8 = scf.for %scan3A_154 = %scan3A_4 to %scan3A_6 step %scan3A_7 iter_args(%scan3A_155 = %scan3A) -> (i32)  : i32 {
      %swap3A = arith.index_cast %scan3A_154 : i32 to index
      %swap3A_156 = arith.constant 0 : index
      %swap3A_157 = tpu.vector_load %arg17[%swap3A, %swap3A_156] {strides = array<i32>} : memref<80x128xf32, #tpu.memory_space<vmem>>, vector<1x16xf32>,
      %swap3A_158 = vector.shape_cast %swap3A_157 : vector<1x16xf32> to vector<16xf32>
      %swap3A_159 = vector.shape_cast %broadcast_in_dim3A_1 : vector<16xf32> to vector<1x16xf32>
      tpu.vector_store %arg17[%swap3A, %swap3A_156], %swap3A_159 {strides = array<i32>} : memref<80x128xf32, #tpu.memory_space<vmem>>, vector<1x16xf32>,
      %swap3A_160 = arith.index_cast %scan3A_154 : i32 to index
      %swap3A_161 = arith.constant 16 : index
      %swap3A_162 = tpu.vector_load %arg17[%swap3A_160, %swap3A_161] {strides = array<i32>} : memref<80x128xf32, #tpu.memory_space<vmem>>, vector<1x16xf32>,
      %swap3A_163 = vector.shape_cast %swap3A_162 : vector<1x16xf32> to vector<16xf32>
      %swap3A_164 = vector.shape_cast %broadcast_in_dim3A_1 : vector<16xf32> to vector<1x16xf32>
      tpu.vector_store %arg17[%swap3A_160, %swap3A_161], %swap3A_164 {strides = array<i32>} : memref<80x128xf32, #tpu.memory_space<vmem>>, vector<1x16xf32>,
      %swap3A_165 = arith.index_cast %scan3A_154 : i32 to index
      %swap3A_166 = arith.constant 32 : index
      %swap3A_167 = tpu.vector_load %arg17[%swap3A_165, %swap3A_166] {strides = array<i32>} : memref<80x128xf32, #tpu.memory_space<vmem>>, vector<1x16xf32>,
      %swap3A_168 = vector.shape_cast %swap3A_167 : vector<1x16xf32> to vector<16xf32>
      %swap3A_169 = vector.shape_cast %broadcast_in_dim3A_1 : vector<16xf32> to vector<1x16xf32>
      tpu.vector_store %arg17[%swap3A_165, %swap3A_166], %swap3A_169 {strides = array<i32>} : memref<80x128xf32, #tpu.memory_space<vmem>>, vector<1x16xf32>,
      %swap3A_170 = arith.index_cast %scan3A_154 : i32 to index
      %swap3A_171 = arith.constant 48 : index
      %swap3A_172 = tpu.vector_load %arg17[%swap3A_170, %swap3A_171] {strides = array<i32>} : memref<80x128xf32, #tpu.memory_space<vmem>>, vector<1x16xf32>,
      %swap3A_173 = vector.shape_cast %swap3A_172 : vector<1x16xf32> to vector<16xf32>
      %swap3A_174 = vector.shape_cast %broadcast_in_dim3A_1 : vector<16xf32> to vector<1x16xf32>
      tpu.vector_store %arg17[%swap3A_170, %swap3A_171], %swap3A_174 {strides = array<i32>} : memref<80x128xf32, #tpu.memory_space<vmem>>, vector<1x16xf32>,
      %swap3A_175 = arith.index_cast %scan3A_154 : i32 to index
      %swap3A_176 = arith.constant 64 : index
      %swap3A_177 = tpu.vector_load %arg17[%swap3A_175, %swap3A_176] {strides = array<i32>} : memref<80x128xf32, #tpu.memory_space<vmem>>, vector<1x16xf32>,
      %swap3A_178 = vector.shape_cast %swap3A_177 : vector<1x16xf32> to vector<16xf32>
      %swap3A_179 = vector.shape_cast %broadcast_in_dim3A_1 : vector<16xf32> to vector<1x16xf32>
      tpu.vector_store %arg17[%swap3A_175, %swap3A_176], %swap3A_179 {strides = array<i32>} : memref<80x128xf32, #tpu.memory_space<vmem>>, vector<1x16xf32>,
      %swap3A_180 = arith.index_cast %scan3A_154 : i32 to index
      %swap3A_181 = arith.constant 80 : index
      %swap3A_182 = tpu.vector_load %arg17[%swap3A_180, %swap3A_181] {strides = array<i32>} : memref<80x128xf32, #tpu.memory_space<vmem>>, vector<1x16xf32>,
      %swap3A_183 = vector.shape_cast %swap3A_182 : vector<1x16xf32> to vector<16xf32>
      %swap3A_184 = vector.shape_cast %broadcast_in_dim3A_1 : vector<16xf32> to vector<1x16xf32>
      tpu.vector_store %arg17[%swap3A_180, %swap3A_181], %swap3A_184 {strides = array<i32>} : memref<80x128xf32, #tpu.memory_space<vmem>>, vector<1x16xf32>,
      %swap3A_185 = arith.index_cast %scan3A_154 : i32 to index
      %swap3A_186 = arith.constant 96 : index
      %swap3A_187 = tpu.vector_load %arg17[%swap3A_185, %swap3A_186] {strides = array<i32>} : memref<80x128xf32, #tpu.memory_space<vmem>>, vector<1x16xf32>,
      %swap3A_188 = vector.shape_cast %swap3A_187 : vector<1x16xf32> to vector<16xf32>
      %swap3A_189 = vector.shape_cast %broadcast_in_dim3A_1 : vector<16xf32> to vector<1x16xf32>
      tpu.vector_store %arg17[%swap3A_185, %swap3A_186], %swap3A_189 {strides = array<i32>} : memref<80x128xf32, #tpu.memory_space<vmem>>, vector<1x16xf32>,
      %swap3A_190 = arith.index_cast %scan3A_154 : i32 to index
      %swap3A_191 = arith.constant 112 : index
      %swap3A_192 = tpu.vector_load %arg17[%swap3A_190, %swap3A_191] {strides = array<i32>} : memref<80x128xf32, #tpu.memory_space<vmem>>, vector<1x16xf32>,
      %swap3A_193 = vector.shape_cast %swap3A_192 : vector<1x16xf32> to vector<16xf32>
      %swap3A_194 = vector.shape_cast %broadcast_in_dim3A_1 : vector<16xf32> to vector<1x16xf32>
      tpu.vector_store %arg17[%swap3A_190, %swap3A_191], %swap3A_194 {strides = array<i32>} : memref<80x128xf32, #tpu.memory_space<vmem>>, vector<1x16xf32>,
      %scan3A_195 = arith.constant 0 : i32
      scf.yield %scan3A_195 : i32
    }
    %scan3A_9 = arith.constant 80 : i32
    %scan3A_10 = arith.constant 0 : i32
    %scan3A_11 = arith.constant 0 : i32
    %scan3A_12 = arith.constant 5 : i32
    %scan3A_13 = arith.addi %scan3A_11, %scan3A_12 : i32
    %scan3A_14 = arith.constant 1 : i32
    %scan3A_15 = scf.for %scan3A_154 = %scan3A_11 to %scan3A_13 step %scan3A_14 iter_args(%scan3A_155 = %scan3A_10) -> (i32)  : i32 {
      %mul3A_156 = arith.constant 16 : i32
      %mul3A_157 = arith.muli %scan3A_154, %mul3A_156 : i32
      %swap3A = arith.index_cast %mul3A_157 : i32 to index
      %swap3A_158 = tpu.vector_load %arg16[%swap3A] {strides = array<i32>} : memref<80xf32, #tpu.memory_space<vmem>>, vector<16xf32>,
      %swap3A_159 = vector.shape_cast %swap3A_158 : vector<16xf32> to vector<16xf32>
      %swap3A_160 = vector.shape_cast %broadcast_in_dim3A_3 : vector<16xf32> to vector<16xf32>
      tpu.vector_store %arg16[%swap3A], %swap3A_160 {strides = array<i32>} : memref<80xf32, #tpu.memory_space<vmem>>, vector<16xf32>,
      %scan3A_161 = arith.constant 0 : i32
      scf.yield %scan3A_161 : i32
    }
    %scan3A_16 = arith.constant 5 : i32
    %scan3A_17 = arith.constant 0 : i32
    %scan3A_18 = arith.constant 0 : i32
    %scan3A_19 = arith.constant 125 : i32
    %scan3A_20 = arith.addi %scan3A_18, %scan3A_19 : i32
    %scan3A_21 = arith.constant 1 : i32
    %scan3A_22 = scf.for %scan3A_154 = %scan3A_18 to %scan3A_20 step %scan3A_21 iter_args(%scan3A_155 = %scan3A_17) -> (i32)  : i32 {
      %mul3A_156 = arith.constant 16 : i32
      %mul3A_157 = arith.muli %scan3A_154, %mul3A_156 : i32
      %swap3A = arith.index_cast %mul3A_157 : i32 to index
      %swap3A_158 = tpu.vector_load %arg18[%swap3A] {strides = array<i32>} : memref<2000xf32, #tpu.memory_space<vmem>>, vector<16xf32>,
      %swap3A_159 = vector.shape_cast %swap3A_158 : vector<16xf32> to vector<16xf32>
      %swap3A_160 = vector.shape_cast %broadcast_in_dim3A_1 : vector<16xf32> to vector<16xf32>
      tpu.vector_store %arg18[%swap3A], %swap3A_160 {strides = array<i32>} : memref<2000xf32, #tpu.memory_space<vmem>>, vector<16xf32>,
      %scan3A_161 = arith.constant 0 : i32
      scf.yield %scan3A_161 : i32
    }
    %scan3A_23 = arith.constant 125 : i32
    %mul3A_24 = arith.constant 640 : i32
    %mul3A_25 = arith.muli %arg1, %mul3A_24 : i32
    %eq3A = arith.constant 15 : i32
    %eq3A_26 = arith.cmpi eq, %arg1, %eq3A : i32
    %jit3A = arith.constant 5 : i32
    %jit3A_27 = arith.constant 8 : i32
    %select_n3A = arith.select %eq3A_26, %jit3A, %jit3A_27 : i32
    %while3A = arith.constant 0 : i32
    %while3A_28 = arith.constant 0 : i32
    %while3A_29 = arith.subi %select_n3A, %while3A : i32
    %while3A_30 = arith.addi %while3A, %while3A_29 : i32
    %while3A_31 = arith.constant 1 : i32
    %while3A_32 = arith.divsi %while3A_29, %while3A_31 : i32
    %while3A_33 = arith.muli %while3A_32, %while3A_31 : i32
    %while3A_34 = arith.addi %while3A, %while3A_33 : i32
    %while3A_35 = arith.constant 1 : i32
    %while3A_36 = scf.for %while3A_154 = %while3A to %while3A_34 step %while3A_35 iter_args(%while3A_155 = %while3A_28) -> (i32)  : i32 {
      %mul3A_156 = arith.constant 80 : i32
      %mul3A_157 = arith.muli %while3A_154, %mul3A_156 : i32
      %add3A_158 = arith.addi %mul3A_25, %mul3A_157 : i32
      "tpu.region"() ({
        %run_scoped3A = tpu.sem_alloc : memref<!tpu.dma_semaphore, #tpu.memory_space<semaphore_mem>>
        %dma_start3A_160 = arith.constant 0 : i32
        %dma_start3A_161 = tpu.memref_slice %arg19[%add3A_158, %dma_start3A_160] : memref<10016x128xf32, #tpu.memory_space<vmem_shared>> -> memref<80x128xf32, #tpu.memory_space<vmem_shared>>
        %dma_start3A_162 = arith.constant 0 : i32
        %dma_start3A_163 = tpu.memref_slice %arg19[%add3A_158, %dma_start3A_162] : memref<10016x128xf32, #tpu.memory_space<vmem_shared>> -> memref<80x128xf32, #tpu.memory_space<vmem_shared>>
        tpu.enqueue_dma source(%arg17 : memref<80x128xf32, #tpu.memory_space<vmem>>) target(%dma_start3A_163 : memref<80x128xf32, #tpu.memory_space<vmem_shared>>) target_semaphore(%run_scoped3A : memref<!tpu.dma_semaphore, #tpu.memory_space<semaphore_mem>>)
        %dma_wait3A_164 = arith.constant 0 : i32
        %dma_wait3A_165 = tpu.memref_slice %arg19[%add3A_158, %dma_wait3A_164] : memref<10016x128xf32, #tpu.memory_space<vmem_shared>> -> memref<80x128xf32, #tpu.memory_space<vmem_shared>>
        %dma_wait3A_166 = arith.constant 0 : i32
        %dma_wait3A_167 = tpu.memref_slice %arg19[%add3A_158, %dma_wait3A_166] : memref<10016x128xf32, #tpu.memory_space<vmem_shared>> -> memref<80x128xf32, #tpu.memory_space<vmem_shared>>
        tpu.wait_dma2 semaphore(%run_scoped3A : memref<!tpu.dma_semaphore, #tpu.memory_space<semaphore_mem>>) src(%arg17 : memref<80x128xf32, #tpu.memory_space<vmem>>) dst(%dma_wait3A_167 : memref<80x128xf32, #tpu.memory_space<vmem_shared>>)
        tpu.yield
      }) : () -> ()
      %while3A_159 = arith.constant 0 : i32
      scf.yield %while3A_159 : i32
    }
    %while3A_37 = arith.constant 1 : i32
    %while3A_38 = scf.for %while3A_154 = %while3A_34 to %while3A_30 step %while3A_37 iter_args(%while3A_155 = %while3A_36) -> (i32)  : i32 {
      %mul3A_156 = arith.constant 80 : i32
      %mul3A_157 = arith.muli %while3A_154, %mul3A_156 : i32
      %add3A_158 = arith.addi %mul3A_25, %mul3A_157 : i32
      "tpu.region"() ({
        %run_scoped3A = tpu.sem_alloc : memref<!tpu.dma_semaphore, #tpu.memory_space<semaphore_mem>>
        %dma_start3A_160 = arith.constant 0 : i32
        %dma_start3A_161 = tpu.memref_slice %arg19[%add3A_158, %dma_start3A_160] : memref<10016x128xf32, #tpu.memory_space<vmem_shared>> -> memref<80x128xf32, #tpu.memory_space<vmem_shared>>
        %dma_start3A_162 = arith.constant 0 : i32
        %dma_start3A_163 = tpu.memref_slice %arg19[%add3A_158, %dma_start3A_162] : memref<10016x128xf32, #tpu.memory_space<vmem_shared>> -> memref<80x128xf32, #tpu.memory_space<vmem_shared>>
        tpu.enqueue_dma source(%arg17 : memref<80x128xf32, #tpu.memory_space<vmem>>) target(%dma_start3A_163 : memref<80x128xf32, #tpu.memory_space<vmem_shared>>) target_semaphore(%run_scoped3A : memref<!tpu.dma_semaphore, #tpu.memory_space<semaphore_mem>>)
        %dma_wait3A_164 = arith.constant 0 : i32
        %dma_wait3A_165 = tpu.memref_slice %arg19[%add3A_158, %dma_wait3A_164] : memref<10016x128xf32, #tpu.memory_space<vmem_shared>> -> memref<80x128xf32, #tpu.memory_space<vmem_shared>>
        %dma_wait3A_166 = arith.constant 0 : i32
        %dma_wait3A_167 = tpu.memref_slice %arg19[%add3A_158, %dma_wait3A_166] : memref<10016x128xf32, #tpu.memory_space<vmem_shared>> -> memref<80x128xf32, #tpu.memory_space<vmem_shared>>
        tpu.wait_dma2 semaphore(%run_scoped3A : memref<!tpu.dma_semaphore, #tpu.memory_space<semaphore_mem>>) src(%arg17 : memref<80x128xf32, #tpu.memory_space<vmem>>) dst(%dma_wait3A_167 : memref<80x128xf32, #tpu.memory_space<vmem_shared>>)
        tpu.yield
      }) : () -> ()
      %while3A_159 = arith.constant 0 : i32
      scf.yield %while3A_159 : i32
    }
    %eq3A_39 = arith.constant 0 : i32
    %eq3A_40 = arith.cmpi eq, %arg1, %eq3A_39 : i32
    %convert_element_type3A = arith.extui %eq3A_40 : i1 to i32
    %cond3A = arith.constant 0 : i32
    %cond3A_41 = arith.cmpi ne, %convert_element_type3A, %cond3A : i32
    scf.if %cond3A_41 {
      "tpu.region"() ({
        %run_scoped3A = tpu.sem_alloc : memref<!tpu.dma_semaphore, #tpu.memory_space<semaphore_mem>>
        %dma_start3A_154 = arith.constant 0 : i32
        %dma_start3A_155 = tpu.memref_slice %arg20[%dma_start3A_154] : memref<10016xf32, #tpu.memory_space<vmem_shared>> -> memref<2000xf32, #tpu.memory_space<vmem_shared>>
        %dma_start3A_156 = arith.constant 0 : i32
        %dma_start3A_157 = tpu.memref_slice %arg20[%dma_start3A_156] : memref<10016xf32, #tpu.memory_space<vmem_shared>> -> memref<2000xf32, #tpu.memory_space<vmem_shared>>
        tpu.enqueue_dma source(%arg18 : memref<2000xf32, #tpu.memory_space<vmem>>) target(%dma_start3A_157 : memref<2000xf32, #tpu.memory_space<vmem_shared>>) target_semaphore(%run_scoped3A : memref<!tpu.dma_semaphore, #tpu.memory_space<semaphore_mem>>)
        %dma_wait3A_158 = arith.constant 0 : i32
        %dma_wait3A_159 = tpu.memref_slice %arg20[%dma_wait3A_158] : memref<10016xf32, #tpu.memory_space<vmem_shared>> -> memref<2000xf32, #tpu.memory_space<vmem_shared>>
        %dma_wait3A_160 = arith.constant 0 : i32
        %dma_wait3A_161 = tpu.memref_slice %arg20[%dma_wait3A_160] : memref<10016xf32, #tpu.memory_space<vmem_shared>> -> memref<2000xf32, #tpu.memory_space<vmem_shared>>
        tpu.wait_dma2 semaphore(%run_scoped3A : memref<!tpu.dma_semaphore, #tpu.memory_space<semaphore_mem>>) src(%arg18 : memref<2000xf32, #tpu.memory_space<vmem>>) dst(%dma_wait3A_161 : memref<2000xf32, #tpu.memory_space<vmem_shared>>)
        tpu.yield
      }) : () -> ()
      "tpu.region"() ({
        %run_scoped3A = tpu.sem_alloc : memref<!tpu.dma_semaphore, #tpu.memory_space<semaphore_mem>>
        %dma_start3A_154 = arith.constant 2000 : i32
        %dma_start3A_155 = tpu.memref_slice %arg20[%dma_start3A_154] : memref<10016xf32, #tpu.memory_space<vmem_shared>> -> memref<2000xf32, #tpu.memory_space<vmem_shared>>
        %dma_start3A_156 = arith.constant 2000 : i32
        %dma_start3A_157 = tpu.memref_slice %arg20[%dma_start3A_156] : memref<10016xf32, #tpu.memory_space<vmem_shared>> -> memref<2000xf32, #tpu.memory_space<vmem_shared>>
        tpu.enqueue_dma source(%arg18 : memref<2000xf32, #tpu.memory_space<vmem>>) target(%dma_start3A_157 : memref<2000xf32, #tpu.memory_space<vmem_shared>>) target_semaphore(%run_scoped3A : memref<!tpu.dma_semaphore, #tpu.memory_space<semaphore_mem>>)
        %dma_wait3A_158 = arith.constant 2000 : i32
        %dma_wait3A_159 = tpu.memref_slice %arg20[%dma_wait3A_158] : memref<10016xf32, #tpu.memory_space<vmem_shared>> -> memref<2000xf32, #tpu.memory_space<vmem_shared>>
        %dma_wait3A_160 = arith.constant 2000 : i32
        %dma_wait3A_161 = tpu.memref_slice %arg20[%dma_wait3A_160] : memref<10016xf32, #tpu.memory_space<vmem_shared>> -> memref<2000xf32, #tpu.memory_space<vmem_shared>>
        tpu.wait_dma2 semaphore(%run_scoped3A : memref<!tpu.dma_semaphore, #tpu.memory_space<semaphore_mem>>) src(%arg18 : memref<2000xf32, #tpu.memory_space<vmem>>) dst(%dma_wait3A_161 : memref<2000xf32, #tpu.memory_space<vmem_shared>>)
        tpu.yield
      }) : () -> ()
      "tpu.region"() ({
        %run_scoped3A = tpu.sem_alloc : memref<!tpu.dma_semaphore, #tpu.memory_space<semaphore_mem>>
        %dma_start3A_154 = arith.constant 4000 : i32
        %dma_start3A_155 = tpu.memref_slice %arg20[%dma_start3A_154] : memref<10016xf32, #tpu.memory_space<vmem_shared>> -> memref<2000xf32, #tpu.memory_space<vmem_shared>>
        %dma_start3A_156 = arith.constant 4000 : i32
        %dma_start3A_157 = tpu.memref_slice %arg20[%dma_start3A_156] : memref<10016xf32, #tpu.memory_space<vmem_shared>> -> memref<2000xf32, #tpu.memory_space<vmem_shared>>
        tpu.enqueue_dma source(%arg18 : memref<2000xf32, #tpu.memory_space<vmem>>) target(%dma_start3A_157 : memref<2000xf32, #tpu.memory_space<vmem_shared>>) target_semaphore(%run_scoped3A : memref<!tpu.dma_semaphore, #tpu.memory_space<semaphore_mem>>)
        %dma_wait3A_158 = arith.constant 4000 : i32
        %dma_wait3A_159 = tpu.memref_slice %arg20[%dma_wait3A_158] : memref<10016xf32, #tpu.memory_space<vmem_shared>> -> memref<2000xf32, #tpu.memory_space<vmem_shared>>
        %dma_wait3A_160 = arith.constant 4000 : i32
        %dma_wait3A_161 = tpu.memref_slice %arg20[%dma_wait3A_160] : memref<10016xf32, #tpu.memory_space<vmem_shared>> -> memref<2000xf32, #tpu.memory_space<vmem_shared>>
        tpu.wait_dma2 semaphore(%run_scoped3A : memref<!tpu.dma_semaphore, #tpu.memory_space<semaphore_mem>>) src(%arg18 : memref<2000xf32, #tpu.memory_space<vmem>>) dst(%dma_wait3A_161 : memref<2000xf32, #tpu.memory_space<vmem_shared>>)
        tpu.yield
      }) : () -> ()
      "tpu.region"() ({
        %run_scoped3A = tpu.sem_alloc : memref<!tpu.dma_semaphore, #tpu.memory_space<semaphore_mem>>
        %dma_start3A_154 = arith.constant 6000 : i32
        %dma_start3A_155 = tpu.memref_slice %arg20[%dma_start3A_154] : memref<10016xf32, #tpu.memory_space<vmem_shared>> -> memref<2000xf32, #tpu.memory_space<vmem_shared>>
        %dma_start3A_156 = arith.constant 6000 : i32
        %dma_start3A_157 = tpu.memref_slice %arg20[%dma_start3A_156] : memref<10016xf32, #tpu.memory_space<vmem_shared>> -> memref<2000xf32, #tpu.memory_space<vmem_shared>>
        tpu.enqueue_dma source(%arg18 : memref<2000xf32, #tpu.memory_space<vmem>>) target(%dma_start3A_157 : memref<2000xf32, #tpu.memory_space<vmem_shared>>) target_semaphore(%run_scoped3A : memref<!tpu.dma_semaphore, #tpu.memory_space<semaphore_mem>>)
        %dma_wait3A_158 = arith.constant 6000 : i32
        %dma_wait3A_159 = tpu.memref_slice %arg20[%dma_wait3A_158] : memref<10016xf32, #tpu.memory_space<vmem_shared>> -> memref<2000xf32, #tpu.memory_space<vmem_shared>>
        %dma_wait3A_160 = arith.constant 6000 : i32
        %dma_wait3A_161 = tpu.memref_slice %arg20[%dma_wait3A_160] : memref<10016xf32, #tpu.memory_space<vmem_shared>> -> memref<2000xf32, #tpu.memory_space<vmem_shared>>
        tpu.wait_dma2 semaphore(%run_scoped3A : memref<!tpu.dma_semaphore, #tpu.memory_space<semaphore_mem>>) src(%arg18 : memref<2000xf32, #tpu.memory_space<vmem>>) dst(%dma_wait3A_161 : memref<2000xf32, #tpu.memory_space<vmem_shared>>)
        tpu.yield
      }) : () -> ()
      "tpu.region"() ({
        %run_scoped3A = tpu.sem_alloc : memref<!tpu.dma_semaphore, #tpu.memory_space<semaphore_mem>>
        %dma_start3A_154 = arith.constant 8000 : i32
        %dma_start3A_155 = tpu.memref_slice %arg20[%dma_start3A_154] : memref<10016xf32, #tpu.memory_space<vmem_shared>> -> memref<2000xf32, #tpu.memory_space<vmem_shared>>
        %dma_start3A_156 = arith.constant 8000 : i32
        %dma_start3A_157 = tpu.memref_slice %arg20[%dma_start3A_156] : memref<10016xf32, #tpu.memory_space<vmem_shared>> -> memref<2000xf32, #tpu.memory_space<vmem_shared>>
        tpu.enqueue_dma source(%arg18 : memref<2000xf32, #tpu.memory_space<vmem>>) target(%dma_start3A_157 : memref<2000xf32, #tpu.memory_space<vmem_shared>>) target_semaphore(%run_scoped3A : memref<!tpu.dma_semaphore, #tpu.memory_space<semaphore_mem>>)
        %dma_wait3A_158 = arith.constant 8000 : i32
        %dma_wait3A_159 = tpu.memref_slice %arg20[%dma_wait3A_158] : memref<10016xf32, #tpu.memory_space<vmem_shared>> -> memref<2000xf32, #tpu.memory_space<vmem_shared>>
        %dma_wait3A_160 = arith.constant 8000 : i32
        %dma_wait3A_161 = tpu.memref_slice %arg20[%dma_wait3A_160] : memref<10016xf32, #tpu.memory_space<vmem_shared>> -> memref<2000xf32, #tpu.memory_space<vmem_shared>>
        tpu.wait_dma2 semaphore(%run_scoped3A : memref<!tpu.dma_semaphore, #tpu.memory_space<semaphore_mem>>) src(%arg18 : memref<2000xf32, #tpu.memory_space<vmem>>) dst(%dma_wait3A_161 : memref<2000xf32, #tpu.memory_space<vmem_shared>>)
        tpu.yield
      }) : () -> ()
    } else {
    }
    %barrier3A = arith.constant 0 : index
    tpu.barrier barrier_id(%barrier3A)
    %mul3A_42 = arith.constant 10000 : i32
    %mul3A_43 = arith.muli %add3A, %mul3A_42 : i32
    %add3A_44 = arith.constant 0 : i32
    %add3A_45 = arith.addi %mul3A_43, %add3A_44 : i32
    %dma_start3A = arith.constant 0 : i32
    %dma_start3A_46 = tpu.memref_slice %arg3[%add3A_45] : memref<320000xi32, #tpu.memory_space<hbm>> -> memref<80xi32, #tpu.memory_space<hbm>>
    %dma_start3A_47 = tpu.memref_slice %arg22[%dma_start3A] : memref<3x!tpu.dma_semaphore, #tpu.memory_space<semaphore_mem>> -> memref<1x!tpu.dma_semaphore, #tpu.memory_space<semaphore_mem>>
    %dma_start3A_48 = tpu.memref_squeeze %dma_start3A_47 : memref<1x!tpu.dma_semaphore, #tpu.memory_space<semaphore_mem>> -> memref<!tpu.dma_semaphore, #tpu.memory_space<semaphore_mem>>
    %dma_start3A_49 = tpu.memref_slice %arg3[%add3A_45] : memref<320000xi32, #tpu.memory_space<hbm>> -> memref<80xi32, #tpu.memory_space<hbm>>
    tpu.enqueue_dma source(%dma_start3A_49 : memref<80xi32, #tpu.memory_space<hbm>>) target(%arg7 : memref<80xi32, #tpu.memory_space<vmem>>) target_semaphore(%dma_start3A_48 : memref<!tpu.dma_semaphore, #tpu.memory_space<semaphore_mem>>)
    %dma_start3A_50 = arith.constant 0 : i32
    %dma_start3A_51 = tpu.memref_slice %arg4[%add3A_45] : memref<320000xi32, #tpu.memory_space<hbm>> -> memref<80xi32, #tpu.memory_space<hbm>>
    %dma_start3A_52 = tpu.memref_slice %arg22[%dma_start3A_50] : memref<3x!tpu.dma_semaphore, #tpu.memory_space<semaphore_mem>> -> memref<1x!tpu.dma_semaphore, #tpu.memory_space<semaphore_mem>>
    %dma_start3A_53 = tpu.memref_squeeze %dma_start3A_52 : memref<1x!tpu.dma_semaphore, #tpu.memory_space<semaphore_mem>> -> memref<!tpu.dma_semaphore, #tpu.memory_space<semaphore_mem>>
    %dma_start3A_54 = tpu.memref_slice %arg4[%add3A_45] : memref<320000xi32, #tpu.memory_space<hbm>> -> memref<80xi32, #tpu.memory_space<hbm>>
    tpu.enqueue_dma source(%dma_start3A_54 : memref<80xi32, #tpu.memory_space<hbm>>) target(%arg10 : memref<80xi32, #tpu.memory_space<vmem>>) target_semaphore(%dma_start3A_53 : memref<!tpu.dma_semaphore, #tpu.memory_space<semaphore_mem>>)
    %add3A_55 = arith.constant 80 : i32
    %add3A_56 = arith.addi %mul3A_43, %add3A_55 : i32
    %dma_start3A_57 = arith.constant 1 : i32
    %dma_start3A_58 = tpu.memref_slice %arg3[%add3A_56] : memref<320000xi32, #tpu.memory_space<hbm>> -> memref<80xi32, #tpu.memory_space<hbm>>
    %dma_start3A_59 = tpu.memref_slice %arg22[%dma_start3A_57] : memref<3x!tpu.dma_semaphore, #tpu.memory_space<semaphore_mem>> -> memref<1x!tpu.dma_semaphore, #tpu.memory_space<semaphore_mem>>
    %dma_start3A_60 = tpu.memref_squeeze %dma_start3A_59 : memref<1x!tpu.dma_semaphore, #tpu.memory_space<semaphore_mem>> -> memref<!tpu.dma_semaphore, #tpu.memory_space<semaphore_mem>>
    %dma_start3A_61 = tpu.memref_slice %arg3[%add3A_56] : memref<320000xi32, #tpu.memory_space<hbm>> -> memref<80xi32, #tpu.memory_space<hbm>>
    tpu.enqueue_dma source(%dma_start3A_61 : memref<80xi32, #tpu.memory_space<hbm>>) target(%arg8 : memref<80xi32, #tpu.memory_space<vmem>>) target_semaphore(%dma_start3A_60 : memref<!tpu.dma_semaphore, #tpu.memory_space<semaphore_mem>>)
    %dma_start3A_62 = arith.constant 1 : i32
    %dma_start3A_63 = tpu.memref_slice %arg4[%add3A_56] : memref<320000xi32, #tpu.memory_space<hbm>> -> memref<80xi32, #tpu.memory_space<hbm>>
    %dma_start3A_64 = tpu.memref_slice %arg22[%dma_start3A_62] : memref<3x!tpu.dma_semaphore, #tpu.memory_space<semaphore_mem>> -> memref<1x!tpu.dma_semaphore, #tpu.memory_space<semaphore_mem>>
    %dma_start3A_65 = tpu.memref_squeeze %dma_start3A_64 : memref<1x!tpu.dma_semaphore, #tpu.memory_space<semaphore_mem>> -> memref<!tpu.dma_semaphore, #tpu.memory_space<semaphore_mem>>
    %dma_start3A_66 = tpu.memref_slice %arg4[%add3A_56] : memref<320000xi32, #tpu.memory_space<hbm>> -> memref<80xi32, #tpu.memory_space<hbm>>
    tpu.enqueue_dma source(%dma_start3A_66 : memref<80xi32, #tpu.memory_space<hbm>>) target(%arg11 : memref<80xi32, #tpu.memory_space<vmem>>) target_semaphore(%dma_start3A_65 : memref<!tpu.dma_semaphore, #tpu.memory_space<semaphore_mem>>)
    %dma_wait3A = arith.constant 0 : i32
    %dma_wait3A_67 = arith.constant 0 : i32
    %dma_wait3A_68 = tpu.memref_slice %arg3[%dma_wait3A_67] : memref<320000xi32, #tpu.memory_space<hbm>> -> memref<80xi32, #tpu.memory_space<hbm>>
    %dma_wait3A_69 = tpu.memref_slice %arg22[%dma_wait3A] : memref<3x!tpu.dma_semaphore, #tpu.memory_space<semaphore_mem>> -> memref<1x!tpu.dma_semaphore, #tpu.memory_space<semaphore_mem>>
    %dma_wait3A_70 = tpu.memref_squeeze %dma_wait3A_69 : memref<1x!tpu.dma_semaphore, #tpu.memory_space<semaphore_mem>> -> memref<!tpu.dma_semaphore, #tpu.memory_space<semaphore_mem>>
    %dma_wait3A_71 = arith.constant 0 : i32
    %dma_wait3A_72 = tpu.memref_slice %arg3[%dma_wait3A_71] : memref<320000xi32, #tpu.memory_space<hbm>> -> memref<80xi32, #tpu.memory_space<hbm>>
    tpu.wait_dma2 semaphore(%dma_wait3A_70 : memref<!tpu.dma_semaphore, #tpu.memory_space<semaphore_mem>>) src(%dma_wait3A_72 : memref<80xi32, #tpu.memory_space<hbm>>) dst(%arg7 : memref<80xi32, #tpu.memory_space<vmem>>)
    %dma_wait3A_73 = arith.constant 0 : i32
    %dma_wait3A_74 = arith.constant 0 : i32
    %dma_wait3A_75 = tpu.memref_slice %arg4[%dma_wait3A_74] : memref<320000xi32, #tpu.memory_space<hbm>> -> memref<80xi32, #tpu.memory_space<hbm>>
    %dma_wait3A_76 = tpu.memref_slice %arg22[%dma_wait3A_73] : memref<3x!tpu.dma_semaphore, #tpu.memory_space<semaphore_mem>> -> memref<1x!tpu.dma_semaphore, #tpu.memory_space<semaphore_mem>>
    %dma_wait3A_77 = tpu.memref_squeeze %dma_wait3A_76 : memref<1x!tpu.dma_semaphore, #tpu.memory_space<semaphore_mem>> -> memref<!tpu.dma_semaphore, #tpu.memory_space<semaphore_mem>>
    %dma_wait3A_78 = arith.constant 0 : i32
    %dma_wait3A_79 = tpu.memref_slice %arg4[%dma_wait3A_78] : memref<320000xi32, #tpu.memory_space<hbm>> -> memref<80xi32, #tpu.memory_space<hbm>>
    tpu.wait_dma2 semaphore(%dma_wait3A_77 : memref<!tpu.dma_semaphore, #tpu.memory_space<semaphore_mem>>) src(%dma_wait3A_79 : memref<80xi32, #tpu.memory_space<hbm>>) dst(%arg10 : memref<80xi32, #tpu.memory_space<vmem>>)
    %dma_start3A_80 = arith.constant 0 : i32
    %dma_start3A_81 = arith.constant 0 : i32
    %dma_start3A_82 = arith.constant 0 : i32
    %dma_start3A_83 = tpu.memref_slice %arg2[%dma_start3A_81, %dma_start3A_82] : memref<10000x128xf32, #tpu.memory_space<hbm>> -> memref<10000x128xf32, #tpu.memory_space<hbm>>
    %dma_start3A_84 = tpu.memref_slice %arg21[%dma_start3A_80] : memref<3x!tpu.dma_semaphore, #tpu.memory_space<semaphore_mem>> -> memref<1x!tpu.dma_semaphore, #tpu.memory_space<semaphore_mem>>
    %dma_start3A_85 = tpu.memref_squeeze %dma_start3A_84 : memref<1x!tpu.dma_semaphore, #tpu.memory_space<semaphore_mem>> -> memref<!tpu.dma_semaphore, #tpu.memory_space<semaphore_mem>>
    tpu.enqueue_indirect_dma source(%dma_start3A_83 : memref<10000x128xf32, #tpu.memory_space<hbm>>) target(%arg13 : memref<80x128xf32, #tpu.memory_space<vmem>>) offsets(%arg7 : memref<80xi32, #tpu.memory_space<vmem>>) semaphore(%dma_start3A_85 : memref<!tpu.dma_semaphore, #tpu.memory_space<semaphore_mem>>)
    %dma_wait3A_86 = arith.constant 1 : i32
    %dma_wait3A_87 = arith.constant 0 : i32
    %dma_wait3A_88 = tpu.memref_slice %arg3[%dma_wait3A_87] : memref<320000xi32, #tpu.memory_space<hbm>> -> memref<80xi32, #tpu.memory_space<hbm>>
    %dma_wait3A_89 = tpu.memref_slice %arg22[%dma_wait3A_86] : memref<3x!tpu.dma_semaphore, #tpu.memory_space<semaphore_mem>> -> memref<1x!tpu.dma_semaphore, #tpu.memory_space<semaphore_mem>>
    %dma_wait3A_90 = tpu.memref_squeeze %dma_wait3A_89 : memref<1x!tpu.dma_semaphore, #tpu.memory_space<semaphore_mem>> -> memref<!tpu.dma_semaphore, #tpu.memory_space<semaphore_mem>>
    %dma_wait3A_91 = arith.constant 0 : i32
    %dma_wait3A_92 = tpu.memref_slice %arg3[%dma_wait3A_91] : memref<320000xi32, #tpu.memory_space<hbm>> -> memref<80xi32, #tpu.memory_space<hbm>>
    tpu.wait_dma2 semaphore(%dma_wait3A_90 : memref<!tpu.dma_semaphore, #tpu.memory_space<semaphore_mem>>) src(%dma_wait3A_92 : memref<80xi32, #tpu.memory_space<hbm>>) dst(%arg8 : memref<80xi32, #tpu.memory_space<vmem>>)
    %dma_wait3A_93 = arith.constant 1 : i32
    %dma_wait3A_94 = arith.constant 0 : i32
    %dma_wait3A_95 = tpu.memref_slice %arg4[%dma_wait3A_94] : memref<320000xi32, #tpu.memory_space<hbm>> -> memref<80xi32, #tpu.memory_space<hbm>>
    %dma_wait3A_96 = tpu.memref_slice %arg22[%dma_wait3A_93] : memref<3x!tpu.dma_semaphore, #tpu.memory_space<semaphore_mem>> -> memref<1x!tpu.dma_semaphore, #tpu.memory_space<semaphore_mem>>
    %dma_wait3A_97 = tpu.memref_squeeze %dma_wait3A_96 : memref<1x!tpu.dma_semaphore, #tpu.memory_space<semaphore_mem>> -> memref<!tpu.dma_semaphore, #tpu.memory_space<semaphore_mem>>
    %dma_wait3A_98 = arith.constant 0 : i32
    %dma_wait3A_99 = tpu.memref_slice %arg4[%dma_wait3A_98] : memref<320000xi32, #tpu.memory_space<hbm>> -> memref<80xi32, #tpu.memory_space<hbm>>
    tpu.wait_dma2 semaphore(%dma_wait3A_97 : memref<!tpu.dma_semaphore, #tpu.memory_space<semaphore_mem>>) src(%dma_wait3A_99 : memref<80xi32, #tpu.memory_space<hbm>>) dst(%arg11 : memref<80xi32, #tpu.memory_space<vmem>>)
    %dma_start3A_100 = arith.constant 1 : i32
    %dma_start3A_101 = arith.constant 0 : i32
    %dma_start3A_102 = arith.constant 0 : i32
    %dma_start3A_103 = tpu.memref_slice %arg2[%dma_start3A_101, %dma_start3A_102] : memref<10000x128xf32, #tpu.memory_space<hbm>> -> memref<10000x128xf32, #tpu.memory_space<hbm>>
    %dma_start3A_104 = tpu.memref_slice %arg21[%dma_start3A_100] : memref<3x!tpu.dma_semaphore, #tpu.memory_space<semaphore_mem>> -> memref<1x!tpu.dma_semaphore, #tpu.memory_space<semaphore_mem>>
    %dma_start3A_105 = tpu.memref_squeeze %dma_start3A_104 : memref<1x!tpu.dma_semaphore, #tpu.memory_space<semaphore_mem>> -> memref<!tpu.dma_semaphore, #tpu.memory_space<semaphore_mem>>
    tpu.enqueue_indirect_dma source(%dma_start3A_103 : memref<10000x128xf32, #tpu.memory_space<hbm>>) target(%arg14 : memref<80x128xf32, #tpu.memory_space<vmem>>) offsets(%arg8 : memref<80xi32, #tpu.memory_space<vmem>>) semaphore(%dma_start3A_105 : memref<!tpu.dma_semaphore, #tpu.memory_space<semaphore_mem>>)
    %add3A_106 = arith.constant 160 : i32
    %add3A_107 = arith.addi %mul3A_43, %add3A_106 : i32
    %dma_start3A_108 = arith.constant 2 : i32
    %dma_start3A_109 = tpu.memref_slice %arg3[%add3A_107] : memref<320000xi32, #tpu.memory_space<hbm>> -> memref<80xi32, #tpu.memory_space<hbm>>
    %dma_start3A_110 = tpu.memref_slice %arg22[%dma_start3A_108] : memref<3x!tpu.dma_semaphore, #tpu.memory_space<semaphore_mem>> -> memref<1x!tpu.dma_semaphore, #tpu.memory_space<semaphore_mem>>
    %dma_start3A_111 = tpu.memref_squeeze %dma_start3A_110 : memref<1x!tpu.dma_semaphore, #tpu.memory_space<semaphore_mem>> -> memref<!tpu.dma_semaphore, #tpu.memory_space<semaphore_mem>>
    %dma_start3A_112 = tpu.memref_slice %arg3[%add3A_107] : memref<320000xi32, #tpu.memory_space<hbm>> -> memref<80xi32, #tpu.memory_space<hbm>>
    tpu.enqueue_dma source(%dma_start3A_112 : memref<80xi32, #tpu.memory_space<hbm>>) target(%arg9 : memref<80xi32, #tpu.memory_space<vmem>>) target_semaphore(%dma_start3A_111 : memref<!tpu.dma_semaphore, #tpu.memory_space<semaphore_mem>>)
    %dma_start3A_113 = arith.constant 2 : i32
    %dma_start3A_114 = tpu.memref_slice %arg4[%add3A_107] : memref<320000xi32, #tpu.memory_space<hbm>> -> memref<80xi32, #tpu.memory_space<hbm>>
    %dma_start3A_115 = tpu.memref_slice %arg22[%dma_start3A_113] : memref<3x!tpu.dma_semaphore, #tpu.memory_space<semaphore_mem>> -> memref<1x!tpu.dma_semaphore, #tpu.memory_space<semaphore_mem>>
    %dma_start3A_116 = tpu.memref_squeeze %dma_start3A_115 : memref<1x!tpu.dma_semaphore, #tpu.memory_space<semaphore_mem>> -> memref<!tpu.dma_semaphore, #tpu.memory_space<semaphore_mem>>
    %dma_start3A_117 = tpu.memref_slice %arg4[%add3A_107] : memref<320000xi32, #tpu.memory_space<hbm>> -> memref<80xi32, #tpu.memory_space<hbm>>
    tpu.enqueue_dma source(%dma_start3A_117 : memref<80xi32, #tpu.memory_space<hbm>>) target(%arg12 : memref<80xi32, #tpu.memory_space<vmem>>) target_semaphore(%dma_start3A_116 : memref<!tpu.dma_semaphore, #tpu.memory_space<semaphore_mem>>)
    %scan3A_118 = arith.constant 0 : i32
    %scan3A_119 = arith.constant 2 : i32
    %scan3A_120 = arith.constant 2 : i32
    %scan3A_121 = arith.constant 0 : i32
    %scan3A_122 = arith.constant 1 : i32
    %scan3A_123 = arith.constant 1 : i32
    %scan3A_124 = arith.constant 0 : i32
    %scan3A_125 = arith.constant 0 : i32
    %scan3A_126 = arith.constant 42 : i32
    %scan3A_127 = arith.addi %scan3A_125, %scan3A_126 : i32
    %scan3A_128 = arith.constant 1 : i32
    %scan3A_129 = scf.for %scan3A_154 = %scan3A_125 to %scan3A_127 step %scan3A_128 iter_args(%scan3A_155 = %scan3A_124) -> (i32)  : i32 {
      %mul3A_156 = arith.constant 3 : i32
      %mul3A_157 = arith.muli %mul3A_156, %scan3A_154 : i32
      %add3A_158 = arith.constant 0 : i32
      %add3A_159 = arith.addi %mul3A_157, %add3A_158 : i32
      %lt3A = arith.constant 125 : i32
      %lt3A_160 = arith.cmpi slt, %add3A_159, %lt3A : i32
      %convert_element_type3A_161 = arith.extui %lt3A_160 : i1 to i32
      %cond3A_162 = arith.constant 0 : i32
      %cond3A_163 = arith.cmpi ne, %convert_element_type3A_161, %cond3A_162 : i32
      scf.if %cond3A_163 {
        %dma_wait3A_183 = arith.constant 0 : i32
        %dma_wait3A_184 = arith.constant 0 : i32
        %dma_wait3A_185 = tpu.memref_slice %arg2[%dma_wait3A_183, %dma_wait3A_184] : memref<10000x128xf32, #tpu.memory_space<hbm>> -> memref<10000x128xf32, #tpu.memory_space<hbm>>
        %dma_wait3A_186 = tpu.memref_slice %arg21[%scan3A_118] : memref<3x!tpu.dma_semaphore, #tpu.memory_space<semaphore_mem>> -> memref<1x!tpu.dma_semaphore, #tpu.memory_space<semaphore_mem>>
        %dma_wait3A_187 = tpu.memref_squeeze %dma_wait3A_186 : memref<1x!tpu.dma_semaphore, #tpu.memory_space<semaphore_mem>> -> memref<!tpu.dma_semaphore, #tpu.memory_space<semaphore_mem>>
        tpu.wait_indirect_dma semaphore(%dma_wait3A_187 : memref<!tpu.dma_semaphore, #tpu.memory_space<semaphore_mem>>) src(%dma_wait3A_185 : memref<10000x128xf32, #tpu.memory_space<hbm>>) dst(%arg13 : memref<80x128xf32, #tpu.memory_space<vmem>>)
        %add3A_188 = arith.constant 2 : i32
        %add3A_189 = arith.addi %add3A_159, %add3A_188 : i32
        %lt3A_190 = arith.constant 125 : i32
        %lt3A_191 = arith.cmpi slt, %add3A_189, %lt3A_190 : i32
        %convert_element_type3A_192 = arith.extui %lt3A_191 : i1 to i32
        %cond3A_193 = arith.constant 0 : i32
        %cond3A_194 = arith.cmpi ne, %convert_element_type3A_192, %cond3A_193 : i32
        scf.if %cond3A_194 {
          %dma_wait3A_202 = arith.constant 0 : i32
          %dma_wait3A_203 = tpu.memref_slice %arg3[%dma_wait3A_202] : memref<320000xi32, #tpu.memory_space<hbm>> -> memref<80xi32, #tpu.memory_space<hbm>>
          %dma_wait3A_204 = tpu.memref_slice %arg22[%scan3A_119] : memref<3x!tpu.dma_semaphore, #tpu.memory_space<semaphore_mem>> -> memref<1x!tpu.dma_semaphore, #tpu.memory_space<semaphore_mem>>
          %dma_wait3A_205 = tpu.memref_squeeze %dma_wait3A_204 : memref<1x!tpu.dma_semaphore, #tpu.memory_space<semaphore_mem>> -> memref<!tpu.dma_semaphore, #tpu.memory_space<semaphore_mem>>
          %dma_wait3A_206 = arith.constant 0 : i32
          %dma_wait3A_207 = tpu.memref_slice %arg3[%dma_wait3A_206] : memref<320000xi32, #tpu.memory_space<hbm>> -> memref<80xi32, #tpu.memory_space<hbm>>
          tpu.wait_dma2 semaphore(%dma_wait3A_205 : memref<!tpu.dma_semaphore, #tpu.memory_space<semaphore_mem>>) src(%dma_wait3A_207 : memref<80xi32, #tpu.memory_space<hbm>>) dst(%arg9 : memref<80xi32, #tpu.memory_space<vmem>>)
          %dma_wait3A_208 = arith.constant 0 : i32
          %dma_wait3A_209 = tpu.memref_slice %arg4[%dma_wait3A_208] : memref<320000xi32, #tpu.memory_space<hbm>> -> memref<80xi32, #tpu.memory_space<hbm>>
          %dma_wait3A_210 = tpu.memref_slice %arg22[%scan3A_119] : memref<3x!tpu.dma_semaphore, #tpu.memory_space<semaphore_mem>> -> memref<1x!tpu.dma_semaphore, #tpu.memory_space<semaphore_mem>>
          %dma_wait3A_211 = tpu.memref_squeeze %dma_wait3A_210 : memref<1x!tpu.dma_semaphore, #tpu.memory_space<semaphore_mem>> -> memref<!tpu.dma_semaphore, #tpu.memory_space<semaphore_mem>>
          %dma_wait3A_212 = arith.constant 0 : i32
          %dma_wait3A_213 = tpu.memref_slice %arg4[%dma_wait3A_212] : memref<320000xi32, #tpu.memory_space<hbm>> -> memref<80xi32, #tpu.memory_space<hbm>>
          tpu.wait_dma2 semaphore(%dma_wait3A_211 : memref<!tpu.dma_semaphore, #tpu.memory_space<semaphore_mem>>) src(%dma_wait3A_213 : memref<80xi32, #tpu.memory_space<hbm>>) dst(%arg12 : memref<80xi32, #tpu.memory_space<vmem>>)
          %dma_start3A_214 = arith.constant 0 : i32
          %dma_start3A_215 = arith.constant 0 : i32
          %dma_start3A_216 = tpu.memref_slice %arg2[%dma_start3A_214, %dma_start3A_215] : memref<10000x128xf32, #tpu.memory_space<hbm>> -> memref<10000x128xf32, #tpu.memory_space<hbm>>
          %dma_start3A_217 = tpu.memref_slice %arg21[%scan3A_120] : memref<3x!tpu.dma_semaphore, #tpu.memory_space<semaphore_mem>> -> memref<1x!tpu.dma_semaphore, #tpu.memory_space<semaphore_mem>>
          %dma_start3A_218 = tpu.memref_squeeze %dma_start3A_217 : memref<1x!tpu.dma_semaphore, #tpu.memory_space<semaphore_mem>> -> memref<!tpu.dma_semaphore, #tpu.memory_space<semaphore_mem>>
          tpu.enqueue_indirect_dma source(%dma_start3A_216 : memref<10000x128xf32, #tpu.memory_space<hbm>>) target(%arg15 : memref<80x128xf32, #tpu.memory_space<vmem>>) offsets(%arg9 : memref<80xi32, #tpu.memory_space<vmem>>) semaphore(%dma_start3A_218 : memref<!tpu.dma_semaphore, #tpu.memory_space<semaphore_mem>>)
        } else {
        }
        "tpu.region"() ({
          %run_scoped3A = tpu.sem_alloc : memref<!tpu.dma_semaphore, #tpu.memory_space<semaphore_mem>>
          %dma_start3A_202 = arith.constant 0 : i32
          %dma_start3A_203 = arith.constant 0 : i32
          %dma_start3A_204 = tpu.memref_slice %arg19[%dma_start3A_202, %dma_start3A_203] : memref<10016x128xf32, #tpu.memory_space<vmem_shared>> -> memref<10016x128xf32, #tpu.memory_space<vmem_shared>>
          tpu.enqueue_indirect_dma source(%arg13 : memref<80x128xf32, #tpu.memory_space<vmem>>) target(%dma_start3A_204 : memref<10016x128xf32, #tpu.memory_space<vmem_shared>>) offsets(%arg10 : memref<80xi32, #tpu.memory_space<vmem>>) semaphore(%run_scoped3A : memref<!tpu.dma_semaphore, #tpu.memory_space<semaphore_mem>>) {add = true}
          %dma_wait3A_205 = arith.constant 0 : i32
          %dma_wait3A_206 = arith.constant 0 : i32
          %dma_wait3A_207 = tpu.memref_slice %arg19[%dma_wait3A_205, %dma_wait3A_206] : memref<10016x128xf32, #tpu.memory_space<vmem_shared>> -> memref<10016x128xf32, #tpu.memory_space<vmem_shared>>
          tpu.wait_indirect_dma semaphore(%run_scoped3A : memref<!tpu.dma_semaphore, #tpu.memory_space<semaphore_mem>>) src(%arg13 : memref<80x128xf32, #tpu.memory_space<vmem>>) dst(%dma_wait3A_207 : memref<10016x128xf32, #tpu.memory_space<vmem_shared>>)
          tpu.yield
        }) : () -> ()
        "tpu.region"() ({
          %run_scoped3A = tpu.sem_alloc : memref<!tpu.dma_semaphore, #tpu.memory_space<semaphore_mem>>
          %dma_start3A_202 = arith.constant 0 : i32
          %dma_start3A_203 = tpu.memref_slice %arg20[%dma_start3A_202] : memref<10016xf32, #tpu.memory_space<vmem_shared>> -> memref<10016xf32, #tpu.memory_space<vmem_shared>>
          tpu.enqueue_indirect_dma source(%arg16 : memref<80xf32, #tpu.memory_space<vmem>>) target(%dma_start3A_203 : memref<10016xf32, #tpu.memory_space<vmem_shared>>) offsets(%arg10 : memref<80xi32, #tpu.memory_space<vmem>>) semaphore(%run_scoped3A : memref<!tpu.dma_semaphore, #tpu.memory_space<semaphore_mem>>) {add = true}
          %dma_wait3A_204 = arith.constant 0 : i32
          %dma_wait3A_205 = tpu.memref_slice %arg20[%dma_wait3A_204] : memref<10016xf32, #tpu.memory_space<vmem_shared>> -> memref<10016xf32, #tpu.memory_space<vmem_shared>>
          tpu.wait_indirect_dma semaphore(%run_scoped3A : memref<!tpu.dma_semaphore, #tpu.memory_space<semaphore_mem>>) src(%arg16 : memref<80xf32, #tpu.memory_space<vmem>>) dst(%dma_wait3A_205 : memref<10016xf32, #tpu.memory_space<vmem_shared>>)
          tpu.yield
        }) : () -> ()
        %add3A_195 = arith.constant 3 : i32
        %add3A_196 = arith.addi %add3A_159, %add3A_195 : i32
        %lt3A_197 = arith.constant 125 : i32
        %lt3A_198 = arith.cmpi slt, %add3A_196, %lt3A_197 : i32
        %convert_element_type3A_199 = arith.extui %lt3A_198 : i1 to i32
        %cond3A_200 = arith.constant 0 : i32
        %cond3A_201 = arith.cmpi ne, %convert_element_type3A_199, %cond3A_200 : i32
        scf.if %cond3A_201 {
          %add3A_202 = arith.constant 3 : i32
          %add3A_203 = arith.addi %add3A_159, %add3A_202 : i32
          %mul3A_204 = arith.constant 80 : i32
          %mul3A_205 = arith.muli %add3A_203, %mul3A_204 : i32
          %add3A_206 = arith.addi %mul3A_43, %mul3A_205 : i32
          %dma_start3A_207 = tpu.memref_slice %arg3[%add3A_206] : memref<320000xi32, #tpu.memory_space<hbm>> -> memref<80xi32, #tpu.memory_space<hbm>>
          %dma_start3A_208 = tpu.memref_slice %arg22[%scan3A_121] : memref<3x!tpu.dma_semaphore, #tpu.memory_space<semaphore_mem>> -> memref<1x!tpu.dma_semaphore, #tpu.memory_space<semaphore_mem>>
          %dma_start3A_209 = tpu.memref_squeeze %dma_start3A_208 : memref<1x!tpu.dma_semaphore, #tpu.memory_space<semaphore_mem>> -> memref<!tpu.dma_semaphore, #tpu.memory_space<semaphore_mem>>
          %dma_start3A_210 = tpu.memref_slice %arg3[%add3A_206] : memref<320000xi32, #tpu.memory_space<hbm>> -> memref<80xi32, #tpu.memory_space<hbm>>
          tpu.enqueue_dma source(%dma_start3A_210 : memref<80xi32, #tpu.memory_space<hbm>>) target(%arg7 : memref<80xi32, #tpu.memory_space<vmem>>) target_semaphore(%dma_start3A_209 : memref<!tpu.dma_semaphore, #tpu.memory_space<semaphore_mem>>)
          %dma_start3A_211 = tpu.memref_slice %arg4[%add3A_206] : memref<320000xi32, #tpu.memory_space<hbm>> -> memref<80xi32, #tpu.memory_space<hbm>>
          %dma_start3A_212 = tpu.memref_slice %arg22[%scan3A_121] : memref<3x!tpu.dma_semaphore, #tpu.memory_space<semaphore_mem>> -> memref<1x!tpu.dma_semaphore, #tpu.memory_space<semaphore_mem>>
          %dma_start3A_213 = tpu.memref_squeeze %dma_start3A_212 : memref<1x!tpu.dma_semaphore, #tpu.memory_space<semaphore_mem>> -> memref<!tpu.dma_semaphore, #tpu.memory_space<semaphore_mem>>
          %dma_start3A_214 = tpu.memref_slice %arg4[%add3A_206] : memref<320000xi32, #tpu.memory_space<hbm>> -> memref<80xi32, #tpu.memory_space<hbm>>
          tpu.enqueue_dma source(%dma_start3A_214 : memref<80xi32, #tpu.memory_space<hbm>>) target(%arg10 : memref<80xi32, #tpu.memory_space<vmem>>) target_semaphore(%dma_start3A_213 : memref<!tpu.dma_semaphore, #tpu.memory_space<semaphore_mem>>)
        } else {
        }
      } else {
      }
      %mul3A_164 = arith.constant 3 : i32
      %mul3A_165 = arith.muli %mul3A_164, %scan3A_154 : i32
      %add3A_166 = arith.constant 1 : i32
      %add3A_167 = arith.addi %mul3A_165, %add3A_166 : i32
      %lt3A_168 = arith.constant 125 : i32
      %lt3A_169 = arith.cmpi slt, %add3A_167, %lt3A_168 : i32
      %convert_element_type3A_170 = arith.extui %lt3A_169 : i1 to i32
      %cond3A_171 = arith.constant 0 : i32
      %cond3A_172 = arith.cmpi ne, %convert_element_type3A_170, %cond3A_171 : i32
      scf.if %cond3A_172 {
        %dma_wait3A_183 = arith.constant 0 : i32
        %dma_wait3A_184 = arith.constant 0 : i32
        %dma_wait3A_185 = tpu.memref_slice %arg2[%dma_wait3A_183, %dma_wait3A_184] : memref<10000x128xf32, #tpu.memory_space<hbm>> -> memref<10000x128xf32, #tpu.memory_space<hbm>>
        %dma_wait3A_186 = tpu.memref_slice %arg21[%scan3A_122] : memref<3x!tpu.dma_semaphore, #tpu.memory_space<semaphore_mem>> -> memref<1x!tpu.dma_semaphore, #tpu.memory_space<semaphore_mem>>
        %dma_wait3A_187 = tpu.memref_squeeze %dma_wait3A_186 : memref<1x!tpu.dma_semaphore, #tpu.memory_space<semaphore_mem>> -> memref<!tpu.dma_semaphore, #tpu.memory_space<semaphore_mem>>
        tpu.wait_indirect_dma semaphore(%dma_wait3A_187 : memref<!tpu.dma_semaphore, #tpu.memory_space<semaphore_mem>>) src(%dma_wait3A_185 : memref<10000x128xf32, #tpu.memory_space<hbm>>) dst(%arg14 : memref<80x128xf32, #tpu.memory_space<vmem>>)
        %add3A_188 = arith.constant 2 : i32
        %add3A_189 = arith.addi %add3A_167, %add3A_188 : i32
        %lt3A_190 = arith.constant 125 : i32
        %lt3A_191 = arith.cmpi slt, %add3A_189, %lt3A_190 : i32
        %convert_element_type3A_192 = arith.extui %lt3A_191 : i1 to i32
        %cond3A_193 = arith.constant 0 : i32
        %cond3A_194 = arith.cmpi ne, %convert_element_type3A_192, %cond3A_193 : i32
        scf.if %cond3A_194 {
          %dma_wait3A_202 = arith.constant 0 : i32
          %dma_wait3A_203 = tpu.memref_slice %arg3[%dma_wait3A_202] : memref<320000xi32, #tpu.memory_space<hbm>> -> memref<80xi32, #tpu.memory_space<hbm>>
          %dma_wait3A_204 = tpu.memref_slice %arg22[%scan3A_121] : memref<3x!tpu.dma_semaphore, #tpu.memory_space<semaphore_mem>> -> memref<1x!tpu.dma_semaphore, #tpu.memory_space<semaphore_mem>>
          %dma_wait3A_205 = tpu.memref_squeeze %dma_wait3A_204 : memref<1x!tpu.dma_semaphore, #tpu.memory_space<semaphore_mem>> -> memref<!tpu.dma_semaphore, #tpu.memory_space<semaphore_mem>>
          %dma_wait3A_206 = arith.constant 0 : i32
          %dma_wait3A_207 = tpu.memref_slice %arg3[%dma_wait3A_206] : memref<320000xi32, #tpu.memory_space<hbm>> -> memref<80xi32, #tpu.memory_space<hbm>>
          tpu.wait_dma2 semaphore(%dma_wait3A_205 : memref<!tpu.dma_semaphore, #tpu.memory_space<semaphore_mem>>) src(%dma_wait3A_207 : memref<80xi32, #tpu.memory_space<hbm>>) dst(%arg7 : memref<80xi32, #tpu.memory_space<vmem>>)
          %dma_wait3A_208 = arith.constant 0 : i32
          %dma_wait3A_209 = tpu.memref_slice %arg4[%dma_wait3A_208] : memref<320000xi32, #tpu.memory_space<hbm>> -> memref<80xi32, #tpu.memory_space<hbm>>
          %dma_wait3A_210 = tpu.memref_slice %arg22[%scan3A_121] : memref<3x!tpu.dma_semaphore, #tpu.memory_space<semaphore_mem>> -> memref<1x!tpu.dma_semaphore, #tpu.memory_space<semaphore_mem>>
          %dma_wait3A_211 = tpu.memref_squeeze %dma_wait3A_210 : memref<1x!tpu.dma_semaphore, #tpu.memory_space<semaphore_mem>> -> memref<!tpu.dma_semaphore, #tpu.memory_space<semaphore_mem>>
          %dma_wait3A_212 = arith.constant 0 : i32
          %dma_wait3A_213 = tpu.memref_slice %arg4[%dma_wait3A_212] : memref<320000xi32, #tpu.memory_space<hbm>> -> memref<80xi32, #tpu.memory_space<hbm>>
          tpu.wait_dma2 semaphore(%dma_wait3A_211 : memref<!tpu.dma_semaphore, #tpu.memory_space<semaphore_mem>>) src(%dma_wait3A_213 : memref<80xi32, #tpu.memory_space<hbm>>) dst(%arg10 : memref<80xi32, #tpu.memory_space<vmem>>)
          %dma_start3A_214 = arith.constant 0 : i32
          %dma_start3A_215 = arith.constant 0 : i32
          %dma_start3A_216 = tpu.memref_slice %arg2[%dma_start3A_214, %dma_start3A_215] : memref<10000x128xf32, #tpu.memory_space<hbm>> -> memref<10000x128xf32, #tpu.memory_space<hbm>>
          %dma_start3A_217 = tpu.memref_slice %arg21[%scan3A_118] : memref<3x!tpu.dma_semaphore, #tpu.memory_space<semaphore_mem>> -> memref<1x!tpu.dma_semaphore, #tpu.memory_space<semaphore_mem>>
          %dma_start3A_218 = tpu.memref_squeeze %dma_start3A_217 : memref<1x!tpu.dma_semaphore, #tpu.memory_space<semaphore_mem>> -> memref<!tpu.dma_semaphore, #tpu.memory_space<semaphore_mem>>
          tpu.enqueue_indirect_dma source(%dma_start3A_216 : memref<10000x128xf32, #tpu.memory_space<hbm>>) target(%arg13 : memref<80x128xf32, #tpu.memory_space<vmem>>) offsets(%arg7 : memref<80xi32, #tpu.memory_space<vmem>>) semaphore(%dma_start3A_218 : memref<!tpu.dma_semaphore, #tpu.memory_space<semaphore_mem>>)
        } else {
        }
        "tpu.region"() ({
          %run_scoped3A = tpu.sem_alloc : memref<!tpu.dma_semaphore, #tpu.memory_space<semaphore_mem>>
          %dma_start3A_202 = arith.constant 0 : i32
          %dma_start3A_203 = arith.constant 0 : i32
          %dma_start3A_204 = tpu.memref_slice %arg19[%dma_start3A_202, %dma_start3A_203] : memref<10016x128xf32, #tpu.memory_space<vmem_shared>> -> memref<10016x128xf32, #tpu.memory_space<vmem_shared>>
          tpu.enqueue_indirect_dma source(%arg14 : memref<80x128xf32, #tpu.memory_space<vmem>>) target(%dma_start3A_204 : memref<10016x128xf32, #tpu.memory_space<vmem_shared>>) offsets(%arg11 : memref<80xi32, #tpu.memory_space<vmem>>) semaphore(%run_scoped3A : memref<!tpu.dma_semaphore, #tpu.memory_space<semaphore_mem>>) {add = true}
          %dma_wait3A_205 = arith.constant 0 : i32
          %dma_wait3A_206 = arith.constant 0 : i32
          %dma_wait3A_207 = tpu.memref_slice %arg19[%dma_wait3A_205, %dma_wait3A_206] : memref<10016x128xf32, #tpu.memory_space<vmem_shared>> -> memref<10016x128xf32, #tpu.memory_space<vmem_shared>>
          tpu.wait_indirect_dma semaphore(%run_scoped3A : memref<!tpu.dma_semaphore, #tpu.memory_space<semaphore_mem>>) src(%arg14 : memref<80x128xf32, #tpu.memory_space<vmem>>) dst(%dma_wait3A_207 : memref<10016x128xf32, #tpu.memory_space<vmem_shared>>)
          tpu.yield
        }) : () -> ()
        "tpu.region"() ({
          %run_scoped3A = tpu.sem_alloc : memref<!tpu.dma_semaphore, #tpu.memory_space<semaphore_mem>>
          %dma_start3A_202 = arith.constant 0 : i32
          %dma_start3A_203 = tpu.memref_slice %arg20[%dma_start3A_202] : memref<10016xf32, #tpu.memory_space<vmem_shared>> -> memref<10016xf32, #tpu.memory_space<vmem_shared>>
          tpu.enqueue_indirect_dma source(%arg16 : memref<80xf32, #tpu.memory_space<vmem>>) target(%dma_start3A_203 : memref<10016xf32, #tpu.memory_space<vmem_shared>>) offsets(%arg11 : memref<80xi32, #tpu.memory_space<vmem>>) semaphore(%run_scoped3A : memref<!tpu.dma_semaphore, #tpu.memory_space<semaphore_mem>>) {add = true}
          %dma_wait3A_204 = arith.constant 0 : i32
          %dma_wait3A_205 = tpu.memref_slice %arg20[%dma_wait3A_204] : memref<10016xf32, #tpu.memory_space<vmem_shared>> -> memref<10016xf32, #tpu.memory_space<vmem_shared>>
          tpu.wait_indirect_dma semaphore(%run_scoped3A : memref<!tpu.dma_semaphore, #tpu.memory_space<semaphore_mem>>) src(%arg16 : memref<80xf32, #tpu.memory_space<vmem>>) dst(%dma_wait3A_205 : memref<10016xf32, #tpu.memory_space<vmem_shared>>)
          tpu.yield
        }) : () -> ()
        %add3A_195 = arith.constant 3 : i32
        %add3A_196 = arith.addi %add3A_167, %add3A_195 : i32
        %lt3A_197 = arith.constant 125 : i32
        %lt3A_198 = arith.cmpi slt, %add3A_196, %lt3A_197 : i32
        %convert_element_type3A_199 = arith.extui %lt3A_198 : i1 to i32
        %cond3A_200 = arith.constant 0 : i32
        %cond3A_201 = arith.cmpi ne, %convert_element_type3A_199, %cond3A_200 : i32
        scf.if %cond3A_201 {
          %add3A_202 = arith.constant 3 : i32
          %add3A_203 = arith.addi %add3A_167, %add3A_202 : i32
          %mul3A_204 = arith.constant 80 : i32
          %mul3A_205 = arith.muli %add3A_203, %mul3A_204 : i32
          %add3A_206 = arith.addi %mul3A_43, %mul3A_205 : i32
          %dma_start3A_207 = tpu.memref_slice %arg3[%add3A_206] : memref<320000xi32, #tpu.memory_space<hbm>> -> memref<80xi32, #tpu.memory_space<hbm>>
          %dma_start3A_208 = tpu.memref_slice %arg22[%scan3A_123] : memref<3x!tpu.dma_semaphore, #tpu.memory_space<semaphore_mem>> -> memref<1x!tpu.dma_semaphore, #tpu.memory_space<semaphore_mem>>
          %dma_start3A_209 = tpu.memref_squeeze %dma_start3A_208 : memref<1x!tpu.dma_semaphore, #tpu.memory_space<semaphore_mem>> -> memref<!tpu.dma_semaphore, #tpu.memory_space<semaphore_mem>>
          %dma_start3A_210 = tpu.memref_slice %arg3[%add3A_206] : memref<320000xi32, #tpu.memory_space<hbm>> -> memref<80xi32, #tpu.memory_space<hbm>>
          tpu.enqueue_dma source(%dma_start3A_210 : memref<80xi32, #tpu.memory_space<hbm>>) target(%arg8 : memref<80xi32, #tpu.memory_space<vmem>>) target_semaphore(%dma_start3A_209 : memref<!tpu.dma_semaphore, #tpu.memory_space<semaphore_mem>>)
          %dma_start3A_211 = tpu.memref_slice %arg4[%add3A_206] : memref<320000xi32, #tpu.memory_space<hbm>> -> memref<80xi32, #tpu.memory_space<hbm>>
          %dma_start3A_212 = tpu.memref_slice %arg22[%scan3A_123] : memref<3x!tpu.dma_semaphore, #tpu.memory_space<semaphore_mem>> -> memref<1x!tpu.dma_semaphore, #tpu.memory_space<semaphore_mem>>
          %dma_start3A_213 = tpu.memref_squeeze %dma_start3A_212 : memref<1x!tpu.dma_semaphore, #tpu.memory_space<semaphore_mem>> -> memref<!tpu.dma_semaphore, #tpu.memory_space<semaphore_mem>>
          %dma_start3A_214 = tpu.memref_slice %arg4[%add3A_206] : memref<320000xi32, #tpu.memory_space<hbm>> -> memref<80xi32, #tpu.memory_space<hbm>>
          tpu.enqueue_dma source(%dma_start3A_214 : memref<80xi32, #tpu.memory_space<hbm>>) target(%arg11 : memref<80xi32, #tpu.memory_space<vmem>>) target_semaphore(%dma_start3A_213 : memref<!tpu.dma_semaphore, #tpu.memory_space<semaphore_mem>>)
        } else {
        }
      } else {
      }
      %mul3A_173 = arith.constant 3 : i32
      %mul3A_174 = arith.muli %mul3A_173, %scan3A_154 : i32
      %add3A_175 = arith.constant 2 : i32
      %add3A_176 = arith.addi %mul3A_174, %add3A_175 : i32
      %lt3A_177 = arith.constant 125 : i32
      %lt3A_178 = arith.cmpi slt, %add3A_176, %lt3A_177 : i32
      %convert_element_type3A_179 = arith.extui %lt3A_178 : i1 to i32
      %cond3A_180 = arith.constant 0 : i32
      %cond3A_181 = arith.cmpi ne, %convert_element_type3A_179, %cond3A_180 : i32
      scf.if %cond3A_181 {
        %dma_wait3A_183 = arith.constant 0 : i32
        %dma_wait3A_184 = arith.constant 0 : i32
        %dma_wait3A_185 = tpu.memref_slice %arg2[%dma_wait3A_183, %dma_wait3A_184] : memref<10000x128xf32, #tpu.memory_space<hbm>> -> memref<10000x128xf32, #tpu.memory_space<hbm>>
        %dma_wait3A_186 = tpu.memref_slice %arg21[%scan3A_120] : memref<3x!tpu.dma_semaphore, #tpu.memory_space<semaphore_mem>> -> memref<1x!tpu.dma_semaphore, #tpu.memory_space<semaphore_mem>>
        %dma_wait3A_187 = tpu.memref_squeeze %dma_wait3A_186 : memref<1x!tpu.dma_semaphore, #tpu.memory_space<semaphore_mem>> -> memref<!tpu.dma_semaphore, #tpu.memory_space<semaphore_mem>>
        tpu.wait_indirect_dma semaphore(%dma_wait3A_187 : memref<!tpu.dma_semaphore, #tpu.memory_space<semaphore_mem>>) src(%dma_wait3A_185 : memref<10000x128xf32, #tpu.memory_space<hbm>>) dst(%arg15 : memref<80x128xf32, #tpu.memory_space<vmem>>)
        %add3A_188 = arith.constant 2 : i32
        %add3A_189 = arith.addi %add3A_176, %add3A_188 : i32
        %lt3A_190 = arith.constant 125 : i32
        %lt3A_191 = arith.cmpi slt, %add3A_189, %lt3A_190 : i32
        %convert_element_type3A_192 = arith.extui %lt3A_191 : i1 to i32
        %cond3A_193 = arith.constant 0 : i32
        %cond3A_194 = arith.cmpi ne, %convert_element_type3A_192, %cond3A_193 : i32
        scf.if %cond3A_194 {
          %dma_wait3A_202 = arith.constant 0 : i32
          %dma_wait3A_203 = tpu.memref_slice %arg3[%dma_wait3A_202] : memref<320000xi32, #tpu.memory_space<hbm>> -> memref<80xi32, #tpu.memory_space<hbm>>
          %dma_wait3A_204 = tpu.memref_slice %arg22[%scan3A_123] : memref<3x!tpu.dma_semaphore, #tpu.memory_space<semaphore_mem>> -> memref<1x!tpu.dma_semaphore, #tpu.memory_space<semaphore_mem>>
          %dma_wait3A_205 = tpu.memref_squeeze %dma_wait3A_204 : memref<1x!tpu.dma_semaphore, #tpu.memory_space<semaphore_mem>> -> memref<!tpu.dma_semaphore, #tpu.memory_space<semaphore_mem>>
          %dma_wait3A_206 = arith.constant 0 : i32
          %dma_wait3A_207 = tpu.memref_slice %arg3[%dma_wait3A_206] : memref<320000xi32, #tpu.memory_space<hbm>> -> memref<80xi32, #tpu.memory_space<hbm>>
          tpu.wait_dma2 semaphore(%dma_wait3A_205 : memref<!tpu.dma_semaphore, #tpu.memory_space<semaphore_mem>>) src(%dma_wait3A_207 : memref<80xi32, #tpu.memory_space<hbm>>) dst(%arg8 : memref<80xi32, #tpu.memory_space<vmem>>)
          %dma_wait3A_208 = arith.constant 0 : i32
          %dma_wait3A_209 = tpu.memref_slice %arg4[%dma_wait3A_208] : memref<320000xi32, #tpu.memory_space<hbm>> -> memref<80xi32, #tpu.memory_space<hbm>>
          %dma_wait3A_210 = tpu.memref_slice %arg22[%scan3A_123] : memref<3x!tpu.dma_semaphore, #tpu.memory_space<semaphore_mem>> -> memref<1x!tpu.dma_semaphore, #tpu.memory_space<semaphore_mem>>
          %dma_wait3A_211 = tpu.memref_squeeze %dma_wait3A_210 : memref<1x!tpu.dma_semaphore, #tpu.memory_space<semaphore_mem>> -> memref<!tpu.dma_semaphore, #tpu.memory_space<semaphore_mem>>
          %dma_wait3A_212 = arith.constant 0 : i32
          %dma_wait3A_213 = tpu.memref_slice %arg4[%dma_wait3A_212] : memref<320000xi32, #tpu.memory_space<hbm>> -> memref<80xi32, #tpu.memory_space<hbm>>
          tpu.wait_dma2 semaphore(%dma_wait3A_211 : memref<!tpu.dma_semaphore, #tpu.memory_space<semaphore_mem>>) src(%dma_wait3A_213 : memref<80xi32, #tpu.memory_space<hbm>>) dst(%arg11 : memref<80xi32, #tpu.memory_space<vmem>>)
          %dma_start3A_214 = arith.constant 0 : i32
          %dma_start3A_215 = arith.constant 0 : i32
          %dma_start3A_216 = tpu.memref_slice %arg2[%dma_start3A_214, %dma_start3A_215] : memref<10000x128xf32, #tpu.memory_space<hbm>> -> memref<10000x128xf32, #tpu.memory_space<hbm>>
          %dma_start3A_217 = tpu.memref_slice %arg21[%scan3A_122] : memref<3x!tpu.dma_semaphore, #tpu.memory_space<semaphore_mem>> -> memref<1x!tpu.dma_semaphore, #tpu.memory_space<semaphore_mem>>
          %dma_start3A_218 = tpu.memref_squeeze %dma_start3A_217 : memref<1x!tpu.dma_semaphore, #tpu.memory_space<semaphore_mem>> -> memref<!tpu.dma_semaphore, #tpu.memory_space<semaphore_mem>>
          tpu.enqueue_indirect_dma source(%dma_start3A_216 : memref<10000x128xf32, #tpu.memory_space<hbm>>) target(%arg14 : memref<80x128xf32, #tpu.memory_space<vmem>>) offsets(%arg8 : memref<80xi32, #tpu.memory_space<vmem>>) semaphore(%dma_start3A_218 : memref<!tpu.dma_semaphore, #tpu.memory_space<semaphore_mem>>)
        } else {
        }
        "tpu.region"() ({
          %run_scoped3A = tpu.sem_alloc : memref<!tpu.dma_semaphore, #tpu.memory_space<semaphore_mem>>
          %dma_start3A_202 = arith.constant 0 : i32
          %dma_start3A_203 = arith.constant 0 : i32
          %dma_start3A_204 = tpu.memref_slice %arg19[%dma_start3A_202, %dma_start3A_203] : memref<10016x128xf32, #tpu.memory_space<vmem_shared>> -> memref<10016x128xf32, #tpu.memory_space<vmem_shared>>
          tpu.enqueue_indirect_dma source(%arg15 : memref<80x128xf32, #tpu.memory_space<vmem>>) target(%dma_start3A_204 : memref<10016x128xf32, #tpu.memory_space<vmem_shared>>) offsets(%arg12 : memref<80xi32, #tpu.memory_space<vmem>>) semaphore(%run_scoped3A : memref<!tpu.dma_semaphore, #tpu.memory_space<semaphore_mem>>) {add = true}
          %dma_wait3A_205 = arith.constant 0 : i32
          %dma_wait3A_206 = arith.constant 0 : i32
          %dma_wait3A_207 = tpu.memref_slice %arg19[%dma_wait3A_205, %dma_wait3A_206] : memref<10016x128xf32, #tpu.memory_space<vmem_shared>> -> memref<10016x128xf32, #tpu.memory_space<vmem_shared>>
          tpu.wait_indirect_dma semaphore(%run_scoped3A : memref<!tpu.dma_semaphore, #tpu.memory_space<semaphore_mem>>) src(%arg15 : memref<80x128xf32, #tpu.memory_space<vmem>>) dst(%dma_wait3A_207 : memref<10016x128xf32, #tpu.memory_space<vmem_shared>>)
          tpu.yield
        }) : () -> ()
        "tpu.region"() ({
          %run_scoped3A = tpu.sem_alloc : memref<!tpu.dma_semaphore, #tpu.memory_space<semaphore_mem>>
          %dma_start3A_202 = arith.constant 0 : i32
          %dma_start3A_203 = tpu.memref_slice %arg20[%dma_start3A_202] : memref<10016xf32, #tpu.memory_space<vmem_shared>> -> memref<10016xf32, #tpu.memory_space<vmem_shared>>
          tpu.enqueue_indirect_dma source(%arg16 : memref<80xf32, #tpu.memory_space<vmem>>) target(%dma_start3A_203 : memref<10016xf32, #tpu.memory_space<vmem_shared>>) offsets(%arg12 : memref<80xi32, #tpu.memory_space<vmem>>) semaphore(%run_scoped3A : memref<!tpu.dma_semaphore, #tpu.memory_space<semaphore_mem>>) {add = true}
          %dma_wait3A_204 = arith.constant 0 : i32
          %dma_wait3A_205 = tpu.memref_slice %arg20[%dma_wait3A_204] : memref<10016xf32, #tpu.memory_space<vmem_shared>> -> memref<10016xf32, #tpu.memory_space<vmem_shared>>
          tpu.wait_indirect_dma semaphore(%run_scoped3A : memref<!tpu.dma_semaphore, #tpu.memory_space<semaphore_mem>>) src(%arg16 : memref<80xf32, #tpu.memory_space<vmem>>) dst(%dma_wait3A_205 : memref<10016xf32, #tpu.memory_space<vmem_shared>>)
          tpu.yield
        }) : () -> ()
        %add3A_195 = arith.constant 3 : i32
        %add3A_196 = arith.addi %add3A_176, %add3A_195 : i32
        %lt3A_197 = arith.constant 125 : i32
        %lt3A_198 = arith.cmpi slt, %add3A_196, %lt3A_197 : i32
        %convert_element_type3A_199 = arith.extui %lt3A_198 : i1 to i32
        %cond3A_200 = arith.constant 0 : i32
        %cond3A_201 = arith.cmpi ne, %convert_element_type3A_199, %cond3A_200 : i32
        scf.if %cond3A_201 {
          %add3A_202 = arith.constant 3 : i32
          %add3A_203 = arith.addi %add3A_176, %add3A_202 : i32
          %mul3A_204 = arith.constant 80 : i32
          %mul3A_205 = arith.muli %add3A_203, %mul3A_204 : i32
          %add3A_206 = arith.addi %mul3A_43, %mul3A_205 : i32
          %dma_start3A_207 = tpu.memref_slice %arg3[%add3A_206] : memref<320000xi32, #tpu.memory_space<hbm>> -> memref<80xi32, #tpu.memory_space<hbm>>
          %dma_start3A_208 = tpu.memref_slice %arg22[%scan3A_119] : memref<3x!tpu.dma_semaphore, #tpu.memory_space<semaphore_mem>> -> memref<1x!tpu.dma_semaphore, #tpu.memory_space<semaphore_mem>>
          %dma_start3A_209 = tpu.memref_squeeze %dma_start3A_208 : memref<1x!tpu.dma_semaphore, #tpu.memory_space<semaphore_mem>> -> memref<!tpu.dma_semaphore, #tpu.memory_space<semaphore_mem>>
          %dma_start3A_210 = tpu.memref_slice %arg3[%add3A_206] : memref<320000xi32, #tpu.memory_space<hbm>> -> memref<80xi32, #tpu.memory_space<hbm>>
          tpu.enqueue_dma source(%dma_start3A_210 : memref<80xi32, #tpu.memory_space<hbm>>) target(%arg9 : memref<80xi32, #tpu.memory_space<vmem>>) target_semaphore(%dma_start3A_209 : memref<!tpu.dma_semaphore, #tpu.memory_space<semaphore_mem>>)
          %dma_start3A_211 = tpu.memref_slice %arg4[%add3A_206] : memref<320000xi32, #tpu.memory_space<hbm>> -> memref<80xi32, #tpu.memory_space<hbm>>
          %dma_start3A_212 = tpu.memref_slice %arg22[%scan3A_119] : memref<3x!tpu.dma_semaphore, #tpu.memory_space<semaphore_mem>> -> memref<1x!tpu.dma_semaphore, #tpu.memory_space<semaphore_mem>>
          %dma_start3A_213 = tpu.memref_squeeze %dma_start3A_212 : memref<1x!tpu.dma_semaphore, #tpu.memory_space<semaphore_mem>> -> memref<!tpu.dma_semaphore, #tpu.memory_space<semaphore_mem>>
          %dma_start3A_214 = tpu.memref_slice %arg4[%add3A_206] : memref<320000xi32, #tpu.memory_space<hbm>> -> memref<80xi32, #tpu.memory_space<hbm>>
          tpu.enqueue_dma source(%dma_start3A_214 : memref<80xi32, #tpu.memory_space<hbm>>) target(%arg12 : memref<80xi32, #tpu.memory_space<vmem>>) target_semaphore(%dma_start3A_213 : memref<!tpu.dma_semaphore, #tpu.memory_space<semaphore_mem>>)
        } else {
        }
      } else {
      }
      %scan3A_182 = arith.constant 0 : i32
      scf.yield %scan3A_182 : i32
    }
    %scan3A_130 = arith.constant 42 : i32
    %barrier3A_131 = arith.constant 0 : index
    tpu.barrier barrier_id(%barrier3A_131)
    %eq3A_132 = arith.constant 15 : i32
    %eq3A_133 = arith.cmpi eq, %arg1, %eq3A_132 : i32
    %jit3A_134 = arith.constant 5 : i32
    %jit3A_135 = arith.constant 8 : i32
    %select_n3A_136 = arith.select %eq3A_133, %jit3A_134, %jit3A_135 : i32
    %while3A_137 = arith.constant 0 : i32
    %while3A_138 = arith.constant 0 : i32
    %while3A_139 = arith.subi %select_n3A_136, %while3A_137 : i32
    %while3A_140 = arith.addi %while3A_137, %while3A_139 : i32
    %while3A_141 = arith.constant 1 : i32
    %while3A_142 = arith.divsi %while3A_139, %while3A_141 : i32
    %while3A_143 = arith.muli %while3A_142, %while3A_141 : i32
    %while3A_144 = arith.addi %while3A_137, %while3A_143 : i32
    %while3A_145 = arith.constant 1 : i32
    %while3A_146 = scf.for %while3A_154 = %while3A_137 to %while3A_144 step %while3A_145 iter_args(%while3A_155 = %while3A_138) -> (i32)  : i32 {
      %mul3A_156 = arith.constant 80 : i32
      %mul3A_157 = arith.muli %while3A_154, %mul3A_156 : i32
      %add3A_158 = arith.addi %mul3A_25, %mul3A_157 : i32
      "tpu.region"() ({
        %run_scoped3A = tpu.sem_alloc : memref<!tpu.dma_semaphore, #tpu.memory_space<semaphore_mem>>
        %dma_start3A_160 = arith.constant 0 : i32
        %dma_start3A_161 = tpu.memref_slice %arg19[%add3A_158, %dma_start3A_160] : memref<10016x128xf32, #tpu.memory_space<vmem_shared>> -> memref<80x128xf32, #tpu.memory_space<vmem_shared>>
        %dma_start3A_162 = arith.constant 0 : i32
        %dma_start3A_163 = tpu.memref_slice %arg19[%add3A_158, %dma_start3A_162] : memref<10016x128xf32, #tpu.memory_space<vmem_shared>> -> memref<80x128xf32, #tpu.memory_space<vmem_shared>>
        tpu.enqueue_dma source(%dma_start3A_163 : memref<80x128xf32, #tpu.memory_space<vmem_shared>>) target(%arg17 : memref<80x128xf32, #tpu.memory_space<vmem>>) target_semaphore(%run_scoped3A : memref<!tpu.dma_semaphore, #tpu.memory_space<semaphore_mem>>)
        %dma_wait3A_164 = arith.constant 0 : i32
        %dma_wait3A_165 = tpu.memref_slice %arg19[%add3A_158, %dma_wait3A_164] : memref<10016x128xf32, #tpu.memory_space<vmem_shared>> -> memref<80x128xf32, #tpu.memory_space<vmem_shared>>
        %dma_wait3A_166 = arith.constant 0 : i32
        %dma_wait3A_167 = tpu.memref_slice %arg19[%add3A_158, %dma_wait3A_166] : memref<10016x128xf32, #tpu.memory_space<vmem_shared>> -> memref<80x128xf32, #tpu.memory_space<vmem_shared>>
        tpu.wait_dma2 semaphore(%run_scoped3A : memref<!tpu.dma_semaphore, #tpu.memory_space<semaphore_mem>>) src(%dma_wait3A_167 : memref<80x128xf32, #tpu.memory_space<vmem_shared>>) dst(%arg17 : memref<80x128xf32, #tpu.memory_space<vmem>>)
        tpu.yield
      }) : () -> ()
      "tpu.region"() ({
        %run_scoped3A = tpu.sem_alloc : memref<!tpu.dma_semaphore, #tpu.memory_space<semaphore_mem>>
        %dma_start3A_160 = arith.constant 0 : i32
        %dma_start3A_161 = tpu.memref_slice %arg5[%arg0, %add3A_158, %dma_start3A_160] : memref<2x10000x128xf32, #tpu.memory_space<hbm>> -> memref<1x80x128xf32, #tpu.memory_space<hbm>>
        %dma_start3A_162 = tpu.memref_squeeze %dma_start3A_161 : memref<1x80x128xf32, #tpu.memory_space<hbm>> -> memref<80x128xf32, #tpu.memory_space<hbm>>
        %dma_start3A_163 = arith.constant 0 : i32
        %dma_start3A_164 = tpu.memref_slice %arg5[%arg0, %add3A_158, %dma_start3A_163] : memref<2x10000x128xf32, #tpu.memory_space<hbm>> -> memref<1x80x128xf32, #tpu.memory_space<hbm>>
        %dma_start3A_165 = tpu.memref_squeeze %dma_start3A_164 : memref<1x80x128xf32, #tpu.memory_space<hbm>> -> memref<80x128xf32, #tpu.memory_space<hbm>>
        tpu.enqueue_dma source(%arg17 : memref<80x128xf32, #tpu.memory_space<vmem>>) target(%dma_start3A_165 : memref<80x128xf32, #tpu.memory_space<hbm>>) target_semaphore(%run_scoped3A : memref<!tpu.dma_semaphore, #tpu.memory_space<semaphore_mem>>)
        %dma_wait3A_166 = arith.constant 0 : i32
        %dma_wait3A_167 = tpu.memref_slice %arg5[%arg0, %add3A_158, %dma_wait3A_166] : memref<2x10000x128xf32, #tpu.memory_space<hbm>> -> memref<1x80x128xf32, #tpu.memory_space<hbm>>
        %dma_wait3A_168 = tpu.memref_squeeze %dma_wait3A_167 : memref<1x80x128xf32, #tpu.memory_space<hbm>> -> memref<80x128xf32, #tpu.memory_space<hbm>>
        %dma_wait3A_169 = arith.constant 0 : i32
        %dma_wait3A_170 = tpu.memref_slice %arg5[%arg0, %add3A_158, %dma_wait3A_169] : memref<2x10000x128xf32, #tpu.memory_space<hbm>> -> memref<1x80x128xf32, #tpu.memory_space<hbm>>
        %dma_wait3A_171 = tpu.memref_squeeze %dma_wait3A_170 : memref<1x80x128xf32, #tpu.memory_space<hbm>> -> memref<80x128xf32, #tpu.memory_space<hbm>>
        tpu.wait_dma2 semaphore(%run_scoped3A : memref<!tpu.dma_semaphore, #tpu.memory_space<semaphore_mem>>) src(%arg17 : memref<80x128xf32, #tpu.memory_space<vmem>>) dst(%dma_wait3A_171 : memref<80x128xf32, #tpu.memory_space<hbm>>)
        tpu.yield
      }) : () -> ()
      %while3A_159 = arith.constant 0 : i32
      scf.yield %while3A_159 : i32
    }
    %while3A_147 = arith.constant 1 : i32
    %while3A_148 = scf.for %while3A_154 = %while3A_144 to %while3A_140 step %while3A_147 iter_args(%while3A_155 = %while3A_146) -> (i32)  : i32 {
      %mul3A_156 = arith.constant 80 : i32
      %mul3A_157 = arith.muli %while3A_154, %mul3A_156 : i32
      %add3A_158 = arith.addi %mul3A_25, %mul3A_157 : i32
      "tpu.region"() ({
        %run_scoped3A = tpu.sem_alloc : memref<!tpu.dma_semaphore, #tpu.memory_space<semaphore_mem>>
        %dma_start3A_160 = arith.constant 0 : i32
        %dma_start3A_161 = tpu.memref_slice %arg19[%add3A_158, %dma_start3A_160] : memref<10016x128xf32, #tpu.memory_space<vmem_shared>> -> memref<80x128xf32, #tpu.memory_space<vmem_shared>>
        %dma_start3A_162 = arith.constant 0 : i32
        %dma_start3A_163 = tpu.memref_slice %arg19[%add3A_158, %dma_start3A_162] : memref<10016x128xf32, #tpu.memory_space<vmem_shared>> -> memref<80x128xf32, #tpu.memory_space<vmem_shared>>
        tpu.enqueue_dma source(%dma_start3A_163 : memref<80x128xf32, #tpu.memory_space<vmem_shared>>) target(%arg17 : memref<80x128xf32, #tpu.memory_space<vmem>>) target_semaphore(%run_scoped3A : memref<!tpu.dma_semaphore, #tpu.memory_space<semaphore_mem>>)
        %dma_wait3A_164 = arith.constant 0 : i32
        %dma_wait3A_165 = tpu.memref_slice %arg19[%add3A_158, %dma_wait3A_164] : memref<10016x128xf32, #tpu.memory_space<vmem_shared>> -> memref<80x128xf32, #tpu.memory_space<vmem_shared>>
        %dma_wait3A_166 = arith.constant 0 : i32
        %dma_wait3A_167 = tpu.memref_slice %arg19[%add3A_158, %dma_wait3A_166] : memref<10016x128xf32, #tpu.memory_space<vmem_shared>> -> memref<80x128xf32, #tpu.memory_space<vmem_shared>>
        tpu.wait_dma2 semaphore(%run_scoped3A : memref<!tpu.dma_semaphore, #tpu.memory_space<semaphore_mem>>) src(%dma_wait3A_167 : memref<80x128xf32, #tpu.memory_space<vmem_shared>>) dst(%arg17 : memref<80x128xf32, #tpu.memory_space<vmem>>)
        tpu.yield
      }) : () -> ()
      "tpu.region"() ({
        %run_scoped3A = tpu.sem_alloc : memref<!tpu.dma_semaphore, #tpu.memory_space<semaphore_mem>>
        %dma_start3A_160 = arith.constant 0 : i32
        %dma_start3A_161 = tpu.memref_slice %arg5[%arg0, %add3A_158, %dma_start3A_160] : memref<2x10000x128xf32, #tpu.memory_space<hbm>> -> memref<1x80x128xf32, #tpu.memory_space<hbm>>
        %dma_start3A_162 = tpu.memref_squeeze %dma_start3A_161 : memref<1x80x128xf32, #tpu.memory_space<hbm>> -> memref<80x128xf32, #tpu.memory_space<hbm>>
        %dma_start3A_163 = arith.constant 0 : i32
        %dma_start3A_164 = tpu.memref_slice %arg5[%arg0, %add3A_158, %dma_start3A_163] : memref<2x10000x128xf32, #tpu.memory_space<hbm>> -> memref<1x80x128xf32, #tpu.memory_space<hbm>>
        %dma_start3A_165 = tpu.memref_squeeze %dma_start3A_164 : memref<1x80x128xf32, #tpu.memory_space<hbm>> -> memref<80x128xf32, #tpu.memory_space<hbm>>
        tpu.enqueue_dma source(%arg17 : memref<80x128xf32, #tpu.memory_space<vmem>>) target(%dma_start3A_165 : memref<80x128xf32, #tpu.memory_space<hbm>>) target_semaphore(%run_scoped3A : memref<!tpu.dma_semaphore, #tpu.memory_space<semaphore_mem>>)
        %dma_wait3A_166 = arith.constant 0 : i32
        %dma_wait3A_167 = tpu.memref_slice %arg5[%arg0, %add3A_158, %dma_wait3A_166] : memref<2x10000x128xf32, #tpu.memory_space<hbm>> -> memref<1x80x128xf32, #tpu.memory_space<hbm>>
        %dma_wait3A_168 = tpu.memref_squeeze %dma_wait3A_167 : memref<1x80x128xf32, #tpu.memory_space<hbm>> -> memref<80x128xf32, #tpu.memory_space<hbm>>
        %dma_wait3A_169 = arith.constant 0 : i32
        %dma_wait3A_170 = tpu.memref_slice %arg5[%arg0, %add3A_158, %dma_wait3A_169] : memref<2x10000x128xf32, #tpu.memory_space<hbm>> -> memref<1x80x128xf32, #tpu.memory_space<hbm>>
        %dma_wait3A_171 = tpu.memref_squeeze %dma_wait3A_170 : memref<1x80x128xf32, #tpu.memory_space<hbm>> -> memref<80x128xf32, #tpu.memory_space<hbm>>
        tpu.wait_dma2 semaphore(%run_scoped3A : memref<!tpu.dma_semaphore, #tpu.memory_space<semaphore_mem>>) src(%arg17 : memref<80x128xf32, #tpu.memory_space<vmem>>) dst(%dma_wait3A_171 : memref<80x128xf32, #tpu.memory_space<hbm>>)
        tpu.yield
      }) : () -> ()
      %while3A_159 = arith.constant 0 : i32
      scf.yield %while3A_159 : i32
    }
    %eq3A_149 = arith.constant 0 : i32
    %eq3A_150 = arith.cmpi eq, %arg1, %eq3A_149 : i32
    %convert_element_type3A_151 = arith.extui %eq3A_150 : i1 to i32
    %cond3A_152 = arith.constant 0 : i32
    %cond3A_153 = arith.cmpi ne, %convert_element_type3A_151, %cond3A_152 : i32
    scf.if %cond3A_153 {
      "tpu.region"() ({
        %run_scoped3A = tpu.sem_alloc : memref<!tpu.dma_semaphore, #tpu.memory_space<semaphore_mem>>
        %dma_start3A_174 = arith.constant 0 : i32
        %dma_start3A_175 = tpu.memref_slice %arg20[%dma_start3A_174] : memref<10016xf32, #tpu.memory_space<vmem_shared>> -> memref<2000xf32, #tpu.memory_space<vmem_shared>>
        %dma_start3A_176 = arith.constant 0 : i32
        %dma_start3A_177 = tpu.memref_slice %arg20[%dma_start3A_176] : memref<10016xf32, #tpu.memory_space<vmem_shared>> -> memref<2000xf32, #tpu.memory_space<vmem_shared>>
        tpu.enqueue_dma source(%dma_start3A_177 : memref<2000xf32, #tpu.memory_space<vmem_shared>>) target(%arg18 : memref<2000xf32, #tpu.memory_space<vmem>>) target_semaphore(%run_scoped3A : memref<!tpu.dma_semaphore, #tpu.memory_space<semaphore_mem>>)
        %dma_wait3A_178 = arith.constant 0 : i32
        %dma_wait3A_179 = tpu.memref_slice %arg20[%dma_wait3A_178] : memref<10016xf32, #tpu.memory_space<vmem_shared>> -> memref<2000xf32, #tpu.memory_space<vmem_shared>>
        %dma_wait3A_180 = arith.constant 0 : i32
        %dma_wait3A_181 = tpu.memref_slice %arg20[%dma_wait3A_180] : memref<10016xf32, #tpu.memory_space<vmem_shared>> -> memref<2000xf32, #tpu.memory_space<vmem_shared>>
        tpu.wait_dma2 semaphore(%run_scoped3A : memref<!tpu.dma_semaphore, #tpu.memory_space<semaphore_mem>>) src(%dma_wait3A_181 : memref<2000xf32, #tpu.memory_space<vmem_shared>>) dst(%arg18 : memref<2000xf32, #tpu.memory_space<vmem>>)
        tpu.yield
      }) : () -> ()
      %mul3A_154 = arith.constant 10000 : i32
      %mul3A_155 = arith.muli %arg0, %mul3A_154 : i32
      %add3A_156 = arith.constant 0 : i32
      %add3A_157 = arith.addi %mul3A_155, %add3A_156 : i32
      "tpu.region"() ({
        %run_scoped3A = tpu.sem_alloc : memref<!tpu.dma_semaphore, #tpu.memory_space<semaphore_mem>>
        %dma_start3A_174 = tpu.memref_slice %arg6[%add3A_157] : memref<20000xf32, #tpu.memory_space<hbm>> -> memref<2000xf32, #tpu.memory_space<hbm>>
        %dma_start3A_175 = tpu.memref_slice %arg6[%add3A_157] : memref<20000xf32, #tpu.memory_space<hbm>> -> memref<2000xf32, #tpu.memory_space<hbm>>
        tpu.enqueue_dma source(%arg18 : memref<2000xf32, #tpu.memory_space<vmem>>) target(%dma_start3A_175 : memref<2000xf32, #tpu.memory_space<hbm>>) target_semaphore(%run_scoped3A : memref<!tpu.dma_semaphore, #tpu.memory_space<semaphore_mem>>)
        %dma_wait3A_176 = tpu.memref_slice %arg6[%add3A_157] : memref<20000xf32, #tpu.memory_space<hbm>> -> memref<2000xf32, #tpu.memory_space<hbm>>
        %dma_wait3A_177 = tpu.memref_slice %arg6[%add3A_157] : memref<20000xf32, #tpu.memory_space<hbm>> -> memref<2000xf32, #tpu.memory_space<hbm>>
        tpu.wait_dma2 semaphore(%run_scoped3A : memref<!tpu.dma_semaphore, #tpu.memory_space<semaphore_mem>>) src(%arg18 : memref<2000xf32, #tpu.memory_space<vmem>>) dst(%dma_wait3A_177 : memref<2000xf32, #tpu.memory_space<hbm>>)
        tpu.yield
      }) : () -> ()
      "tpu.region"() ({
        %run_scoped3A = tpu.sem_alloc : memref<!tpu.dma_semaphore, #tpu.memory_space<semaphore_mem>>
        %dma_start3A_174 = arith.constant 2000 : i32
        %dma_start3A_175 = tpu.memref_slice %arg20[%dma_start3A_174] : memref<10016xf32, #tpu.memory_space<vmem_shared>> -> memref<2000xf32, #tpu.memory_space<vmem_shared>>
        %dma_start3A_176 = arith.constant 2000 : i32
        %dma_start3A_177 = tpu.memref_slice %arg20[%dma_start3A_176] : memref<10016xf32, #tpu.memory_space<vmem_shared>> -> memref<2000xf32, #tpu.memory_space<vmem_shared>>
        tpu.enqueue_dma source(%dma_start3A_177 : memref<2000xf32, #tpu.memory_space<vmem_shared>>) target(%arg18 : memref<2000xf32, #tpu.memory_space<vmem>>) target_semaphore(%run_scoped3A : memref<!tpu.dma_semaphore, #tpu.memory_space<semaphore_mem>>)
        %dma_wait3A_178 = arith.constant 2000 : i32
        %dma_wait3A_179 = tpu.memref_slice %arg20[%dma_wait3A_178] : memref<10016xf32, #tpu.memory_space<vmem_shared>> -> memref<2000xf32, #tpu.memory_space<vmem_shared>>
        %dma_wait3A_180 = arith.constant 2000 : i32
        %dma_wait3A_181 = tpu.memref_slice %arg20[%dma_wait3A_180] : memref<10016xf32, #tpu.memory_space<vmem_shared>> -> memref<2000xf32, #tpu.memory_space<vmem_shared>>
        tpu.wait_dma2 semaphore(%run_scoped3A : memref<!tpu.dma_semaphore, #tpu.memory_space<semaphore_mem>>) src(%dma_wait3A_181 : memref<2000xf32, #tpu.memory_space<vmem_shared>>) dst(%arg18 : memref<2000xf32, #tpu.memory_space<vmem>>)
        tpu.yield
      }) : () -> ()
      %mul3A_158 = arith.constant 10000 : i32
      %mul3A_159 = arith.muli %arg0, %mul3A_158 : i32
      %add3A_160 = arith.constant 2000 : i32
      %add3A_161 = arith.addi %mul3A_159, %add3A_160 : i32
      "tpu.region"() ({
        %run_scoped3A = tpu.sem_alloc : memref<!tpu.dma_semaphore, #tpu.memory_space<semaphore_mem>>
        %dma_start3A_174 = tpu.memref_slice %arg6[%add3A_161] : memref<20000xf32, #tpu.memory_space<hbm>> -> memref<2000xf32, #tpu.memory_space<hbm>>
        %dma_start3A_175 = tpu.memref_slice %arg6[%add3A_161] : memref<20000xf32, #tpu.memory_space<hbm>> -> memref<2000xf32, #tpu.memory_space<hbm>>
        tpu.enqueue_dma source(%arg18 : memref<2000xf32, #tpu.memory_space<vmem>>) target(%dma_start3A_175 : memref<2000xf32, #tpu.memory_space<hbm>>) target_semaphore(%run_scoped3A : memref<!tpu.dma_semaphore, #tpu.memory_space<semaphore_mem>>)
        %dma_wait3A_176 = tpu.memref_slice %arg6[%add3A_161] : memref<20000xf32, #tpu.memory_space<hbm>> -> memref<2000xf32, #tpu.memory_space<hbm>>
        %dma_wait3A_177 = tpu.memref_slice %arg6[%add3A_161] : memref<20000xf32, #tpu.memory_space<hbm>> -> memref<2000xf32, #tpu.memory_space<hbm>>
        tpu.wait_dma2 semaphore(%run_scoped3A : memref<!tpu.dma_semaphore, #tpu.memory_space<semaphore_mem>>) src(%arg18 : memref<2000xf32, #tpu.memory_space<vmem>>) dst(%dma_wait3A_177 : memref<2000xf32, #tpu.memory_space<hbm>>)
        tpu.yield
      }) : () -> ()
      "tpu.region"() ({
        %run_scoped3A = tpu.sem_alloc : memref<!tpu.dma_semaphore, #tpu.memory_space<semaphore_mem>>
        %dma_start3A_174 = arith.constant 4000 : i32
        %dma_start3A_175 = tpu.memref_slice %arg20[%dma_start3A_174] : memref<10016xf32, #tpu.memory_space<vmem_shared>> -> memref<2000xf32, #tpu.memory_space<vmem_shared>>
        %dma_start3A_176 = arith.constant 4000 : i32
        %dma_start3A_177 = tpu.memref_slice %arg20[%dma_start3A_176] : memref<10016xf32, #tpu.memory_space<vmem_shared>> -> memref<2000xf32, #tpu.memory_space<vmem_shared>>
        tpu.enqueue_dma source(%dma_start3A_177 : memref<2000xf32, #tpu.memory_space<vmem_shared>>) target(%arg18 : memref<2000xf32, #tpu.memory_space<vmem>>) target_semaphore(%run_scoped3A : memref<!tpu.dma_semaphore, #tpu.memory_space<semaphore_mem>>)
        %dma_wait3A_178 = arith.constant 4000 : i32
        %dma_wait3A_179 = tpu.memref_slice %arg20[%dma_wait3A_178] : memref<10016xf32, #tpu.memory_space<vmem_shared>> -> memref<2000xf32, #tpu.memory_space<vmem_shared>>
        %dma_wait3A_180 = arith.constant 4000 : i32
        %dma_wait3A_181 = tpu.memref_slice %arg20[%dma_wait3A_180] : memref<10016xf32, #tpu.memory_space<vmem_shared>> -> memref<2000xf32, #tpu.memory_space<vmem_shared>>
        tpu.wait_dma2 semaphore(%run_scoped3A : memref<!tpu.dma_semaphore, #tpu.memory_space<semaphore_mem>>) src(%dma_wait3A_181 : memref<2000xf32, #tpu.memory_space<vmem_shared>>) dst(%arg18 : memref<2000xf32, #tpu.memory_space<vmem>>)
        tpu.yield
      }) : () -> ()
      %mul3A_162 = arith.constant 10000 : i32
      %mul3A_163 = arith.muli %arg0, %mul3A_162 : i32
      %add3A_164 = arith.constant 4000 : i32
      %add3A_165 = arith.addi %mul3A_163, %add3A_164 : i32
      "tpu.region"() ({
        %run_scoped3A = tpu.sem_alloc : memref<!tpu.dma_semaphore, #tpu.memory_space<semaphore_mem>>
        %dma_start3A_174 = tpu.memref_slice %arg6[%add3A_165] : memref<20000xf32, #tpu.memory_space<hbm>> -> memref<2000xf32, #tpu.memory_space<hbm>>
        %dma_start3A_175 = tpu.memref_slice %arg6[%add3A_165] : memref<20000xf32, #tpu.memory_space<hbm>> -> memref<2000xf32, #tpu.memory_space<hbm>>
        tpu.enqueue_dma source(%arg18 : memref<2000xf32, #tpu.memory_space<vmem>>) target(%dma_start3A_175 : memref<2000xf32, #tpu.memory_space<hbm>>) target_semaphore(%run_scoped3A : memref<!tpu.dma_semaphore, #tpu.memory_space<semaphore_mem>>)
        %dma_wait3A_176 = tpu.memref_slice %arg6[%add3A_165] : memref<20000xf32, #tpu.memory_space<hbm>> -> memref<2000xf32, #tpu.memory_space<hbm>>
        %dma_wait3A_177 = tpu.memref_slice %arg6[%add3A_165] : memref<20000xf32, #tpu.memory_space<hbm>> -> memref<2000xf32, #tpu.memory_space<hbm>>
        tpu.wait_dma2 semaphore(%run_scoped3A : memref<!tpu.dma_semaphore, #tpu.memory_space<semaphore_mem>>) src(%arg18 : memref<2000xf32, #tpu.memory_space<vmem>>) dst(%dma_wait3A_177 : memref<2000xf32, #tpu.memory_space<hbm>>)
        tpu.yield
      }) : () -> ()
      "tpu.region"() ({
        %run_scoped3A = tpu.sem_alloc : memref<!tpu.dma_semaphore, #tpu.memory_space<semaphore_mem>>
        %dma_start3A_174 = arith.constant 6000 : i32
        %dma_start3A_175 = tpu.memref_slice %arg20[%dma_start3A_174] : memref<10016xf32, #tpu.memory_space<vmem_shared>> -> memref<2000xf32, #tpu.memory_space<vmem_shared>>
        %dma_start3A_176 = arith.constant 6000 : i32
        %dma_start3A_177 = tpu.memref_slice %arg20[%dma_start3A_176] : memref<10016xf32, #tpu.memory_space<vmem_shared>> -> memref<2000xf32, #tpu.memory_space<vmem_shared>>
        tpu.enqueue_dma source(%dma_start3A_177 : memref<2000xf32, #tpu.memory_space<vmem_shared>>) target(%arg18 : memref<2000xf32, #tpu.memory_space<vmem>>) target_semaphore(%run_scoped3A : memref<!tpu.dma_semaphore, #tpu.memory_space<semaphore_mem>>)
        %dma_wait3A_178 = arith.constant 6000 : i32
        %dma_wait3A_179 = tpu.memref_slice %arg20[%dma_wait3A_178] : memref<10016xf32, #tpu.memory_space<vmem_shared>> -> memref<2000xf32, #tpu.memory_space<vmem_shared>>
        %dma_wait3A_180 = arith.constant 6000 : i32
        %dma_wait3A_181 = tpu.memref_slice %arg20[%dma_wait3A_180] : memref<10016xf32, #tpu.memory_space<vmem_shared>> -> memref<2000xf32, #tpu.memory_space<vmem_shared>>
        tpu.wait_dma2 semaphore(%run_scoped3A : memref<!tpu.dma_semaphore, #tpu.memory_space<semaphore_mem>>) src(%dma_wait3A_181 : memref<2000xf32, #tpu.memory_space<vmem_shared>>) dst(%arg18 : memref<2000xf32, #tpu.memory_space<vmem>>)
        tpu.yield
      }) : () -> ()
      %mul3A_166 = arith.constant 10000 : i32
      %mul3A_167 = arith.muli %arg0, %mul3A_166 : i32
      %add3A_168 = arith.constant 6000 : i32
      %add3A_169 = arith.addi %mul3A_167, %add3A_168 : i32
      "tpu.region"() ({
        %run_scoped3A = tpu.sem_alloc : memref<!tpu.dma_semaphore, #tpu.memory_space<semaphore_mem>>
        %dma_start3A_174 = tpu.memref_slice %arg6[%add3A_169] : memref<20000xf32, #tpu.memory_space<hbm>> -> memref<2000xf32, #tpu.memory_space<hbm>>
        %dma_start3A_175 = tpu.memref_slice %arg6[%add3A_169] : memref<20000xf32, #tpu.memory_space<hbm>> -> memref<2000xf32, #tpu.memory_space<hbm>>
        tpu.enqueue_dma source(%arg18 : memref<2000xf32, #tpu.memory_space<vmem>>) target(%dma_start3A_175 : memref<2000xf32, #tpu.memory_space<hbm>>) target_semaphore(%run_scoped3A : memref<!tpu.dma_semaphore, #tpu.memory_space<semaphore_mem>>)
        %dma_wait3A_176 = tpu.memref_slice %arg6[%add3A_169] : memref<20000xf32, #tpu.memory_space<hbm>> -> memref<2000xf32, #tpu.memory_space<hbm>>
        %dma_wait3A_177 = tpu.memref_slice %arg6[%add3A_169] : memref<20000xf32, #tpu.memory_space<hbm>> -> memref<2000xf32, #tpu.memory_space<hbm>>
        tpu.wait_dma2 semaphore(%run_scoped3A : memref<!tpu.dma_semaphore, #tpu.memory_space<semaphore_mem>>) src(%arg18 : memref<2000xf32, #tpu.memory_space<vmem>>) dst(%dma_wait3A_177 : memref<2000xf32, #tpu.memory_space<hbm>>)
        tpu.yield
      }) : () -> ()
      "tpu.region"() ({
        %run_scoped3A = tpu.sem_alloc : memref<!tpu.dma_semaphore, #tpu.memory_space<semaphore_mem>>
        %dma_start3A_174 = arith.constant 8000 : i32
        %dma_start3A_175 = tpu.memref_slice %arg20[%dma_start3A_174] : memref<10016xf32, #tpu.memory_space<vmem_shared>> -> memref<2000xf32, #tpu.memory_space<vmem_shared>>
        %dma_start3A_176 = arith.constant 8000 : i32
        %dma_start3A_177 = tpu.memref_slice %arg20[%dma_start3A_176] : memref<10016xf32, #tpu.memory_space<vmem_shared>> -> memref<2000xf32, #tpu.memory_space<vmem_shared>>
        tpu.enqueue_dma source(%dma_start3A_177 : memref<2000xf32, #tpu.memory_space<vmem_shared>>) target(%arg18 : memref<2000xf32, #tpu.memory_space<vmem>>) target_semaphore(%run_scoped3A : memref<!tpu.dma_semaphore, #tpu.memory_space<semaphore_mem>>)
        %dma_wait3A_178 = arith.constant 8000 : i32
        %dma_wait3A_179 = tpu.memref_slice %arg20[%dma_wait3A_178] : memref<10016xf32, #tpu.memory_space<vmem_shared>> -> memref<2000xf32, #tpu.memory_space<vmem_shared>>
        %dma_wait3A_180 = arith.constant 8000 : i32
        %dma_wait3A_181 = tpu.memref_slice %arg20[%dma_wait3A_180] : memref<10016xf32, #tpu.memory_space<vmem_shared>> -> memref<2000xf32, #tpu.memory_space<vmem_shared>>
        tpu.wait_dma2 semaphore(%run_scoped3A : memref<!tpu.dma_semaphore, #tpu.memory_space<semaphore_mem>>) src(%dma_wait3A_181 : memref<2000xf32, #tpu.memory_space<vmem_shared>>) dst(%arg18 : memref<2000xf32, #tpu.memory_space<vmem>>)
        tpu.yield
      }) : () -> ()
      %mul3A_170 = arith.constant 10000 : i32
      %mul3A_171 = arith.muli %arg0, %mul3A_170 : i32
      %add3A_172 = arith.constant 8000 : i32
      %add3A_173 = arith.addi %mul3A_171, %add3A_172 : i32
      "tpu.region"() ({
        %run_scoped3A = tpu.sem_alloc : memref<!tpu.dma_semaphore, #tpu.memory_space<semaphore_mem>>
        %dma_start3A_174 = tpu.memref_slice %arg6[%add3A_173] : memref<20000xf32, #tpu.memory_space<hbm>> -> memref<2000xf32, #tpu.memory_space<hbm>>
        %dma_start3A_175 = tpu.memref_slice %arg6[%add3A_173] : memref<20000xf32, #tpu.memory_space<hbm>> -> memref<2000xf32, #tpu.memory_space<hbm>>
        tpu.enqueue_dma source(%arg18 : memref<2000xf32, #tpu.memory_space<vmem>>) target(%dma_start3A_175 : memref<2000xf32, #tpu.memory_space<hbm>>) target_semaphore(%run_scoped3A : memref<!tpu.dma_semaphore, #tpu.memory_space<semaphore_mem>>)
        %dma_wait3A_176 = tpu.memref_slice %arg6[%add3A_173] : memref<20000xf32, #tpu.memory_space<hbm>> -> memref<2000xf32, #tpu.memory_space<hbm>>
        %dma_wait3A_177 = tpu.memref_slice %arg6[%add3A_173] : memref<20000xf32, #tpu.memory_space<hbm>> -> memref<2000xf32, #tpu.memory_space<hbm>>
        tpu.wait_dma2 semaphore(%run_scoped3A : memref<!tpu.dma_semaphore, #tpu.memory_space<semaphore_mem>>) src(%arg18 : memref<2000xf32, #tpu.memory_space<vmem>>) dst(%dma_wait3A_177 : memref<2000xf32, #tpu.memory_space<hbm>>)
        tpu.yield
      }) : () -> ()
    } else {
    }
    return
  }
}

module attributes {stable_mosaic.version = 14 : i64} {
  func.func @_tc_body(%arg0: memref<2x10000x128xf32, #tpu.memory_space<vmem>>, %arg1: memref<20000xf32, #tpu.memory_space<vmem>>, %arg2: memref<10000x128xf32, #tpu.memory_space<vmem>>, %arg3: memref<10000xf32, #tpu.memory_space<vmem>>, %arg4: memref<128x128xf32, #tpu.memory_space<vmem>>, %arg5: memref<1x128xf32, #tpu.memory_space<vmem>>, %arg6: memref<128x128xf32, #tpu.memory_space<vmem>>, %arg7: memref<1x128xf32, #tpu.memory_space<vmem>>, %arg8: memref<1x1xf32, #tpu.memory_space<vmem>>, %arg9: memref<1x1xf32, #tpu.memory_space<vmem>>, %arg10: memref<10000xf32, #tpu.memory_space<vmem>>) attributes {dimension_semantics = [], scalar_prefetch = 0 : i64, scratch_operands = 0 : i64, tpu.core_type = #tpu.core_type<tc>} {
    %get3A = arith.constant 0 : index
    %get3A_0 = arith.constant 0 : index
    %get3A_1 = arith.constant 0 : index
    %get3A_2 = vector.load %arg0[%get3A, %get3A_0, %get3A_1] : memref<2x10000x128xf32, #tpu.memory_space<vmem>>, vector<1x10000x128xf32>
    %get3A_3 = vector.shape_cast %get3A_2 : vector<1x10000x128xf32> to vector<10000x128xf32>
    %get3A_4 = arith.constant 1 : index
    %get3A_5 = arith.constant 0 : index
    %get3A_6 = arith.constant 0 : index
    %get3A_7 = vector.load %arg0[%get3A_4, %get3A_5, %get3A_6] : memref<2x10000x128xf32, #tpu.memory_space<vmem>>, vector<1x10000x128xf32>
    %get3A_8 = vector.shape_cast %get3A_7 : vector<1x10000x128xf32> to vector<10000x128xf32>
    %add3A = arith.addf %get3A_3, %get3A_8 : vector<10000x128xf32>
    %get3A_9 = arith.constant 0 : index
    %get3A_10 = vector.load %arg1[%get3A_9] : memref<20000xf32, #tpu.memory_space<vmem>>, vector<10000xf32>
    %get3A_11 = arith.constant 10000 : index
    %get3A_12 = vector.load %arg1[%get3A_11] : memref<20000xf32, #tpu.memory_space<vmem>>, vector<10000xf32>
    %add3A_13 = arith.addf %get3A_10, %get3A_12 : vector<10000xf32>
    %max3A = arith.constant 1.000000e+00 : f32
    %max3A_14 = vector.broadcast %max3A : f32 to vector<10000xf32>
    %max3A_15 = arith.maximumf %add3A_13, %max3A_14 : vector<10000xf32>
    %broadcast_in_dim3A = vector.shape_cast %max3A_15 : vector<10000xf32> to vector<10000x1xf32>
    %div3A = vector.broadcast %broadcast_in_dim3A : vector<10000x1xf32> to vector<10000x128xf32>
    %div3A_16 = arith.divf %add3A, %div3A : vector<10000x128xf32>
    %get3A_17 = arith.constant 0 : index
    %get3A_18 = arith.constant 0 : index
    %get3A_19 = vector.load %arg4[%get3A_17, %get3A_18] : memref<128x128xf32, #tpu.memory_space<vmem>>, vector<128x128xf32>
    %dot_general3A = arith.constant dense<0.000000e+00> : vector<10000x128xf32>
    %dot_general3A_20 = tpu.matmul %div3A_16, %get3A_19, %dot_general3A {dimension_numbers = #tpu.dot_dimension_numbers<[1], [0], [0], [1], [0, 0, 1, 1], [], []>, transpose_lhs_hint = false} : vector<10000x128xf32>, vector<128x128xf32>, vector<10000x128xf32> -> vector<10000x128xf32>
    %get3A_21 = arith.constant 0 : index
    %get3A_22 = arith.constant 0 : index
    %get3A_23 = vector.load %arg5[%get3A_21, %get3A_22] : memref<1x128xf32, #tpu.memory_space<vmem>>, vector<1x128xf32>
    %add3A_24 = vector.broadcast %get3A_23 : vector<1x128xf32> to vector<10000x128xf32>
    %add3A_25 = arith.addf %dot_general3A_20, %add3A_24 : vector<10000x128xf32>
    %get3A_26 = arith.constant 0 : index
    %get3A_27 = arith.constant 0 : index
    %get3A_28 = vector.load %arg2[%get3A_26, %get3A_27] : memref<10000x128xf32, #tpu.memory_space<vmem>>, vector<10000x128xf32>
    %get3A_29 = arith.constant 0 : index
    %get3A_30 = arith.constant 0 : index
    %get3A_31 = vector.load %arg6[%get3A_29, %get3A_30] : memref<128x128xf32, #tpu.memory_space<vmem>>, vector<128x128xf32>
    %dot_general3A_32 = arith.constant dense<0.000000e+00> : vector<10000x128xf32>
    %dot_general3A_33 = tpu.matmul %get3A_28, %get3A_31, %dot_general3A_32 {dimension_numbers = #tpu.dot_dimension_numbers<[1], [0], [0], [1], [0, 0, 1, 1], [], []>, transpose_lhs_hint = false} : vector<10000x128xf32>, vector<128x128xf32>, vector<10000x128xf32> -> vector<10000x128xf32>
    %add3A_34 = arith.addf %add3A_25, %dot_general3A_33 : vector<10000x128xf32>
    %max3A_35 = arith.constant 0.000000e+00 : f32
    %max3A_36 = vector.broadcast %max3A_35 : f32 to vector<10000x128xf32>
    %max3A_37 = arith.maximumf %add3A_34, %max3A_36 : vector<10000x128xf32>
    %get3A_38 = arith.constant 0 : index
    %get3A_39 = arith.constant 0 : index
    %get3A_40 = vector.load %arg2[%get3A_38, %get3A_39] : memref<10000x128xf32, #tpu.memory_space<vmem>>, vector<10000x128xf32>
    %add3A_41 = arith.addf %max3A_37, %get3A_40 : vector<10000x128xf32>
    %get3A_42 = arith.constant 0 : index
    %get3A_43 = arith.constant 0 : index
    %get3A_44 = vector.load %arg7[%get3A_42, %get3A_43] : memref<1x128xf32, #tpu.memory_space<vmem>>, vector<1x128xf32>
    %mul3A = vector.broadcast %get3A_44 : vector<1x128xf32> to vector<10000x128xf32>
    %mul3A_45 = arith.mulf %add3A_41, %mul3A : vector<10000x128xf32>
    %reduce_sum3A = arith.constant dense<0.000000e+00> : vector<10000xf32>
    %reduce_sum3A_46 = vector.multi_reduction <add>, %mul3A_45, %reduce_sum3A [1] : vector<10000x128xf32> to vector<10000xf32>
    %get3A_47 = arith.constant 0 : index
    %get3A_48 = arith.constant 0 : index
    %get3A_49 = vector.load %arg8[%get3A_47, %get3A_48] : memref<1x1xf32, #tpu.memory_space<vmem>>, vector<1x1xf32>
    %get3A_50 = vector.extract %get3A_49[0, 0] : f32 from vector<1x1xf32>
    %add3A_51 = vector.broadcast %get3A_50 : f32 to vector<10000xf32>
    %add3A_52 = arith.addf %reduce_sum3A_46, %add3A_51 : vector<10000xf32>
    %get3A_53 = arith.constant 0 : index
    %get3A_54 = arith.constant 0 : index
    %get3A_55 = vector.load %arg9[%get3A_53, %get3A_54] : memref<1x1xf32, #tpu.memory_space<vmem>>, vector<1x1xf32>
    %get3A_56 = vector.extract %get3A_55[0, 0] : f32 from vector<1x1xf32>
    %logistic3A = arith.negf %get3A_56 : f32
    %logistic3A_57 = math.exp %logistic3A : f32
    %logistic3A_58 = arith.constant 1.000000e+00 : f32
    %logistic3A_59 = arith.addf %logistic3A_58, %logistic3A_57 : f32
    %logistic3A_60 = arith.divf %logistic3A_58, %logistic3A_59 : f32
    %get3A_61 = arith.constant 0 : index
    %get3A_62 = vector.load %arg3[%get3A_61] : memref<10000xf32, #tpu.memory_space<vmem>>, vector<10000xf32>
    %mul3A_63 = vector.broadcast %logistic3A_60 : f32 to vector<10000xf32>
    %mul3A_64 = arith.mulf %mul3A_63, %get3A_62 : vector<10000xf32>
    %sub3A = arith.constant 1.000000e+00 : f32
    %sub3A_65 = arith.subf %sub3A, %logistic3A_60 : f32
    %mul3A_66 = vector.broadcast %sub3A_65 : f32 to vector<10000xf32>
    %mul3A_67 = arith.mulf %mul3A_66, %add3A_52 : vector<10000xf32>
    %add3A_68 = arith.addf %mul3A_64, %mul3A_67 : vector<10000xf32>
    %swap3A = arith.constant 0 : index
    %swap3A_69 = vector.load %arg10[%swap3A] : memref<10000xf32, #tpu.memory_space<vmem>>, vector<10000xf32>
    tpu.vector_store %arg10[%swap3A], %add3A_68 {strides = array<i32>} : memref<10000xf32, #tpu.memory_space<vmem>>, vector<10000xf32>,
    return
  }
}

module attributes {stable_mosaic.version = 14 : i64} {
  func.func @_split_body(%arg0: memref<2x320000xi32, #tpu.memory_space<vmem>>, %arg1: memref<320000xi32, #tpu.memory_space<vmem>>, %arg2: memref<320000xi32, #tpu.memory_space<vmem>>) attributes {dimension_semantics = [], scalar_prefetch = 0 : i64, scratch_operands = 0 : i64, tpu.core_type = #tpu.core_type<tc>} {
    %get3A = arith.constant 0 : index
    %get3A_0 = arith.constant 0 : index
    %get3A_1 = vector.load %arg0[%get3A, %get3A_0] : memref<2x320000xi32, #tpu.memory_space<vmem>>, vector<2x320000xi32>
    %slice3A = vector.extract_strided_slice %get3A_1 {offsets = [0, 0], sizes = [1, 320000], strides = [1, 1]} : vector<2x320000xi32> to vector<1x320000xi32>
    %squeeze3A = vector.shape_cast %slice3A : vector<1x320000xi32> to vector<320000xi32>
    %swap3A = arith.constant 0 : index
    %swap3A_2 = vector.load %arg1[%swap3A] : memref<320000xi32, #tpu.memory_space<vmem>>, vector<320000xi32>
    tpu.vector_store %arg1[%swap3A], %squeeze3A {strides = array<i32>} : memref<320000xi32, #tpu.memory_space<vmem>>, vector<320000xi32>,
    %slice3A_3 = vector.extract_strided_slice %get3A_1 {offsets = [1, 0], sizes = [1, 320000], strides = [1, 1]} : vector<2x320000xi32> to vector<1x320000xi32>
    %squeeze3A_4 = vector.shape_cast %slice3A_3 : vector<1x320000xi32> to vector<320000xi32>
    %swap3A_5 = arith.constant 0 : index
    %swap3A_6 = vector.load %arg2[%swap3A_5] : memref<320000xi32, #tpu.memory_space<vmem>>, vector<320000xi32>
    tpu.vector_store %arg2[%swap3A_5], %squeeze3A_4 {strides = array<i32>} : memref<320000xi32, #tpu.memory_space<vmem>>, vector<320000xi32>,
    return
  }
}

</mosaic_0001>

<sc_bundles>
// kernel: kernel.5.cloned.1.call-start
scs
__scs_entry_jumppad:
0x0: {  	(pc) =	sbr.rel $0x88, $3  }
0x1: {  	(tag) =	ssettag $0x0;
	lr =	simm.s32 $0x1  }
0x2: {  	[smem:$0x3F98] =	sst lr;
	_ =	strace $0xD0000000  }
0x3: {  	_ = 	snop  }
0x4: {  	_ = 	snop  }
0x5: {  	_ = 	snop  }
0x6: {  	_ = 	snop  }
0x7: {  	_ = 	snop  }
__scs_overlays_trampoline_lowered:
0x8: {  	[smem:$0x3FA7] =	sst s0  }
0x9: {  	[smem:$0x3FA8] =	sst s1  }
0xa: {  	[smem:$0x3FA9] =	sst s2  }
0xb: {  	[smem:$0x3FAA] =	sst s3  }
0xc: {  	[smem:$0x3FAB] =	sst s4  }
0xd: {  	[smem:$0x3FAC] =	sst s5  }
0xe: {  	[smem:$0x3FAD] =	sst s6  }
0xf: {  	[smem:$0x3FAE] =	sst s7  }
0x10: {  	[smem:$0x3FAF] =	sst s8  }
0x11: {  	[smem:$0x3FB0] =	sst s9;
	s0 =	simm.s32 @!p0 $0x0  }
0x12: {  	s1 =	sld [smem:$0x3F96];
	s0 =	simm.s32 @p0 $0x1  }
0x13: {  	[smem:$0x3FB1] =	sst s0;
	s0 =	simm.s32 @!p1 $0x0  }
0x14: {  	s2 =	sld [smem:$0x3F95];
	s0 =	simm.s32 @p1 $0x1  }
0x15: {  	[smem:$0x3FB2] =	sst s0;
	s0 =	simm.s32 @!p2 $0x0  }
0x16: {  	s3 =	sld [smem:$0x3FDB];
	s0 =	simm.s32 @p2 $0x1  }
0x17: {  	s4 =	simm.s32 $0x1BF5;
	[smem:$0x3FB4] =	sst s0  }
0x18: {  	s0 =	sld [smem:$0x3F97];
	_ =	swait.ge [sflag:s4], $0x0  }
0x19: {  	s7 =	sld [smem:$0x3F98]  }
0x1a: {  	s8 =	sadd.s32 $0xFFFFE003, lr  }
0x1b: {  	s9 =	sadd.s32 $0xFFFFFEF7, lr;
	s5 =	simm.s32 $0xFFFFFFFF;
	p2 =	slt.u32 s8, $0xFFFFF086  }
0x1c: {  	p1 =	slt.u32 s9, $0xF7A;
	s5 =	simm.s32 @!p2 $0x0  }
0x1d: {  	s5 =	simm.s32 @p1 $0x1;
	p0 =	seq.s32 s7, s2  }
0x1e: {  	s7 =	smul.u32 @!p0 $0xF7A, s2;
	p2 =	seq.s32 @!p0 s5, $0x0  }
0x1f: {  	s9 =	smul.u32 $0xF7A, s1;
	s8 =	simm.s32 @!p0 $0x1BF5;
	p2 =	por !p2, p0  }
0x20: {  	[sflag:s8] =	ssyncset.s32 @!p0 $0xFFFFF086;
	s6 =	sadd.s32 @!p0 s3, s7;
	s7 =	simm.s32 @!p0 $0x108  }
0x21: {  	s3 =	sadd.s32 s3, s9;
	s6 =	sadd.s32 @!p0 $0x88, s6;
	s7 =	simm.s32 @p2 $0x1082  }
0x22: {  	[simem:s7], [sflag:s8] =	dma.local @!p0 [hbm:s6], $0xF7A  }
0x23: {  	s9 =	sor.u32 $0xD0000000, s2;
	s6 =	simm.s32 $0x108;
	_ =	swait.ge @!p0 [sflag:s8], $0x0  }
0x24: {  	s3 =	sadd.s32 $0x88, s3;
	s6 =	simm.s32 @!p1 $0x1082;
	[sflag:s4] =	ssyncset.s32 $0xFFFFF086  }
0x25: {  	[simem:s6], [sflag:s4] =	dma.local [hbm:s3], $0xF7A  }
0x26: {  	[smem:$0x3F98] =	sst s1;
	(tag) =	ssettag s2;
	_ =	strace s9  }
0x27: {  	s1 =	sld [smem:$0x3FA8]  }
0x28: {  	s2 =	sld [smem:$0x3FA9]  }
0x29: {  	s4 =	sld [smem:$0x3FAB]  }
0x2a: {  	p0 =	seq.s32 s5, $0x0;
	s5 =	sld [smem:$0x3FAC]  }
0x2b: {  	s6 =	sld [smem:$0x3FAD]  }
0x2c: {  	s7 =	sld [smem:$0x3FAE]  }
0x2d: {  	s3 =	simm.s32 $0x108;
	s8 =	sld [smem:$0x3FAF]  }
0x2e: {  	s3 =	simm.s32 @!p0 $0x1082;
	s9 =	sld [smem:$0x3FB0]  }
0x2f: {  	lr =	sadd.s32 s0, s3;
	s0 =	sld [smem:$0x3FA7]  }
0x30: {  	s3 =	sld [smem:$0x3FAA]  }
0x31: {  	[smem:$0x3FB3] =	sst s10  }
0x32: {  	s10 =	sld [smem:$0x3FB1];
	_ =	sdelay $0x3  }
0x33: {  	p0 =	seq.s32 s10, $0x1;
	s10 =	sld [smem:$0x3FB3];
	_ =	sdelay $0x3  }
0x34: {  	[smem:$0x3FB3] =	sst s10  }
0x35: {  	s10 =	sld [smem:$0x3FB2];
	_ =	sdelay $0x3  }
0x36: {  	p1 =	seq.s32 s10, $0x1;
	s10 =	sld [smem:$0x3FB3];
	_ =	sdelay $0x3  }
0x37: {  	[smem:$0x3FB3] =	sst s10  }
0x38: {  	s10 =	sld [smem:$0x3FB4]  }
0x39: {  	_ = 	snop;
	(pc) =	sbr.ind lr, $3  }
0x3a: {  	_ = 	snop  }
0x3b: {  	_ = 	snop  }
0x3c: {  	p2 =	seq.s32 s10, $0x1;
	s10 =	sld [smem:$0x3FB3]  }
0x3d: {  	_ =	shalt  }
0x3e: {  	_ =	shalt  }
0x3f: {  	_ =	shalt  }
0x40: {  	_ =	shalt  }
0x41: {  	_ =	shalt  }
0x42: {  	_ =	shalt  }
0x43: {  	_ =	shalt  }
0x44: {  	_ =	shalt  }
0x45: {  	_ =	shalt  }
0x46: {  	_ =	shalt  }
0x47: {  	_ =	shalt  }
0x48: {  	_ =	shalt  }
0x49: {  	_ =	shalt  }
0x4a: {  	_ =	shalt  }
0x4b: {  	_ =	shalt  }
0x4c: {  	_ =	shalt  }
0x4d: {  	_ =	shalt  }
0x4e: {  	_ =	shalt  }
0x4f: {  	_ =	shalt  }
0x50: {  	_ =	shalt  }
0x51: {  	_ =	shalt  }
0x52: {  	_ =	shalt  }
0x53: {  	_ =	shalt  }
0x54: {  	_ =	shalt  }
0x55: {  	_ =	shalt  }
0x56: {  	_ =	shalt  }
0x57: {  	_ =	shalt  }
0x58: {  	_ =	shalt  }
0x59: {  	_ =	shalt  }
0x5a: {  	_ =	shalt  }
0x5b: {  	_ =	shalt  }
0x5c: {  	_ =	shalt  }
0x5d: {  	_ =	shalt  }
0x5e: {  	_ =	shalt  }
0x5f: {  	_ =	shalt  }
0x60: {  	_ =	shalt  }
0x61: {  	_ =	shalt  }
0x62: {  	_ =	shalt  }
0x63: {  	_ =	shalt  }
0x64: {  	_ =	shalt  }
0x65: {  	_ =	shalt  }
0x66: {  	_ =	shalt  }
0x67: {  	_ =	shalt  }
0x68: {  	_ =	shalt  }
0x69: {  	_ =	shalt  }
0x6a: {  	_ =	shalt  }
0x6b: {  	_ =	shalt  }
0x6c: {  	_ =	shalt  }
0x6d: {  	_ =	shalt  }
0x6e: {  	_ =	shalt  }
0x6f: {  	_ =	shalt  }
0x70: {  	_ =	shalt  }
0x71: {  	_ =	shalt  }
0x72: {  	_ =	shalt  }
0x73: {  	_ =	shalt  }
0x74: {  	_ =	shalt  }
0x75: {  	_ =	shalt  }
0x76: {  	_ =	shalt  }
0x77: {  	_ =	shalt  }
0x78: {  	_ =	shalt  }
0x79: {  	_ =	shalt  }
0x7a: {  	_ =	shalt  }
0x7b: {  	_ =	shalt  }
0x7c: {  	_ =	shalt  }
0x7d: {  	_ =	shalt  }
0x7e: {  	_ =	shalt  }
0x7f: {  	_ =	shalt  }
0x80: {  	_ =	shalt  }
0x81: {  	_ =	shalt  }
0x82: {  	_ =	shalt  }
0x83: {  	_ =	shalt  }
0x84: {  	_ =	shalt  }
0x85: {  	_ =	shalt  }
0x86: {  	_ =	shalt  }
0x87: {  	_ =	shalt  }
.Lfunc_end0:
.L_simem_size_0:
called_computation_lowered:
.L_overlay_start_0:
0x88: {  	s2 =	sld [smem:$0x3FD9]  }
0x89: {  	s3 =	sld [smem:$0x3FFE];
	_ =	sdelay $0x1  }
0x8a: {  	s1 =	srdreg.scid  }
0x8b: {  	s0 =	sand.u32 $0x1, s1  }
0x8c: {  	s17 =	sshll.u32 s0, $0xA;
	s2 =	sadd.s32 s3, s2  }
0x8d: {  	s2 =	sadd.s32 s2, s17  }
0x8e: {  	[smem:$0x3FBF] =	sst s2  }
0x8f: {  	_ = 	snop  }
0x90: {  	s2 =	sld [smem:$0x3FC9];
	(tm) =	ssettm $0x1  }
0x91: {  	s18 =	sld [smem:$0x3FFB];
	_ =	sdelay $0x3  }
0x92: {  	_ =	strace s18  }
0x93: {  	s3 =	sld [smem:$0x3FFC];
	_ =	sdelay $0x3  }
0x94: {  	_ =	strace s3  }
0x95: {  	s3 =	sld [smem:$0x3FFD];
	_ =	sdelay $0x3  }
0x96: {  	_ =	strace s3  }
0x97: {  	_ =	strace $0x8FFFFFFF  }
0x98: {  	s19 =	sld [smem:$0x3FDB];
	_ =	sdelay $0x1  }
0x99: {  	s4 =	simm.s32 $_scs_section_size  }
0x9a: {  	s5 =	simm.s32 $_size__tile_overlayer_lowered;
	s6 =	simm.s32 $_tile_overlayer_lowered  }
0x9b: {  	s22 =	simm.s32 $0x1BFF;
	s21 =	sshll.u32 s6, $0x1;
	s3 =	sadd.s32 s4, s19  }
0x9c: {  	s7 =	simm.s32 $0x0;
	s20 =	sshll.u32 s5, $0x1;
	s5 =	sadd.s32 s21, s3  }
0x9d: {  	[timem:s7], [sflag:s22] =	dma.local [hbm:s5], s20  }
0x9e: {  	_ =	swait.ge [sflag:s22], s20  }
0x9f: {  	s4 =	ssub.s32 $0x0, s20;
	[sflag:s22] =	ssyncset.done $0x0  }
0xa0: {  	[sflag:s22] =	ssyncadd.s32 s4;
	_ =	sdelay $0x1  }
0xa1: {  	s23 =	simm.s32 $0x1B8B  }
0xa2: {  	_ =	swait.ge [sflag:s23], $0x1  }
0xa3: {  	[sflag:s23] =	ssyncset.done $0x0  }
0xa4: {  	s25 =	simm.s32 $0x1B8E;
	s24 =	sld [smem:$0x3FFE];
	[sflag:s23] =	ssyncadd.s32 $0xFFFFFFFF  }
0xa5: {  	s26 =	simm.s32 $execute0_lowered;
	[smem:$0x3FD2] =	sst s25  }
0xa6: {  	s5 =	sshll.u32 s26, $0x1;
	_ =	strace $0x80000046;
	[dreg:$0x1] =	wrdreg $0xFFFFFFFF  }
0xa7: {  	s28 =	simm.s32 $_size_execute0_lowered;
	s3 =	sadd.s32 s3, s5;
	[dreg:$0x0] =	wrdreg $0x0  }
0xa8: {  	s5 =	sshll.u32 s28, $0x1;
	[dreg:$0x2] =	wrdreg s3  }
0xa9: {  	[dreg:$0x3] =	wrdreg s5  }
0xaa: {  	[dreg:$0x4] =	wrdreg $0xC0  }
0xab: {  	_ =	task [dreg:s7], $0x5FFFF  }
0xac: {  	[dreg:$0x1] =	wrdreg $0xFFFFFFFF  }
0xad: {  	[dreg:$0x0] =	wrdreg $0x60  }
0xae: {  	[dreg:$0x2] =	wrdreg s2  }
0xaf: {  	[dreg:$0x3] =	wrdreg s24  }
0xb0: {  	[dreg:$0x4] =	wrdreg $0xAB800  }
0xb1: {  	[dreg:$0x5] =	wrdreg $0x1E4800  }
0xb2: {  	[dreg:$0x6] =	wrdreg $0x9  }
0xb3: {  	_ =	task.clear_ibuf [dreg:s7], $0x7FFFF;
	_ =	strace $0x90000046  }
0xb4: {  	s29 =	simm.s32 $0x9;
	_ =	strace $0x80000048  }
0xb5: {  	_ =	swait.ge [sflag:s29], $0x1  }
0xb6: {  	[sflag:s29] =	ssyncadd.s32 $0xFFFFFFFF  }
0xb7: {  	_ =	strace $0x90000048  }
0xb8: {  	_ =	sfence  }
0xb9: {  	s30 =	sld [smem:$0x0];
	_ =	sdelay $0x2  }
0xba: {  	s31 =	sshll.u32 s1, $0xD;
	s1 =	sshrl.u32 s1, $0x2  }
0xbb: {  	s3 =	sand.u32 $0x4000, s31;
	s1 =	sadd.s32 s1, s30  }
0xbc: {  	s0 =	sor.u32 s3, s0;
	s1 =	sshll.u32 s1, $0x11  }
0xbd: {  	s0 =	sor.u32 s1, s0  }
0xbe: {  	s0 =	sadd.s32 $0x8F2B, s0  }
0xbf: {  	[sflag:s0] =	ssyncadd.remote.s32 $0x1  }
0xc0: {  	_ =	sfence.sel $0xFFFF  }
0xc1: {  	[dreg:$0x0] =	wrdreg $0xFFFFFFFF;
	(pc) =	sbr.abs _section_cstart, $3  }
0xc2: {  	[dreg:$0x1] =	wrdreg $0xFFFFFFFF  }
0xc3: {  	_ =	task.clear_ibuf [dreg:s7], $0x2FFFF;
	_ =	strace $0x9FFFFFFF  }
0xc4: {  	(tm) =	ssettm $0x7FFFFFFF  }
0xc5: {  	_ =	shalt  }
tec
execute0_lowered:
.L_overlay_start_1:
0x0: {  	(tag) =	ssettag $0x1  }
0x1: {  	s1 =	rddreg [dreg:$0x0]  }
0x2: {  	s0 =	rddreg [dreg:$0x1]  }
0x3: {  	s2 =	rddreg [dreg:$0x2]  }
0x4: {  	s3 =	rddreg [dreg:$0x3];
	s4 =	simm.s32 $0x0;
	s5 =	srdreg.scid  }
0x5: {  	s11 =	stileid.u32;
	s22 =	simm.s32 $0x5;
	[smem:$0x7FF] =	sst s4  }
0x6: {  	s9 =	sand.u32 $0x1, s5;
	s5 =	sadd.s32 $0x2600, s0;
	s6 =	sadd.s32 $0xC400, s0  }
0x7: {  	s8 =	sshll.u32 s11, $0x1;
	s7 =	sadd.s32 $0x16200, s0;
	p0 =	seq.s32 s11, $0xF  }
0x8: {  	s31 =	smul.u32 $0x4E20, s11;
	s28 =	sadd.s32 $0xFA0, s3;
	s29 =	sadd.s32 $0x1770, s3  }
0x9: {  	s30 =	sadd.s32 $0x1F40, s3;
	_ =	strace $0x80000047;
	s10 =	smul.u32 $0x2710, s9  }
0xa: {  	s8 =	sor.u32 s9, s8;
	s16 =	ssub.s32 $0x2, s9;
	[dreg:$0x16] =	wrdreg s28  }
0xb: {  	s22 =	simm.s32 @!p0 $0x8;
	[dreg:$0x17] =	wrdreg s29;
	s13 =	smul.u32 $0x2710, s8  }
0xc: {  	[dreg:$0x18] =	wrdreg s30;
	s12 =	sshrl.u32 s10, $0x3;
	s10 =	sadd.s32 s10, s31  }
0xd: {  	[dreg:$0x5] =	wrdreg s22;
	s13 =	sshrl.u32 s13, $0x3;
	s31 =	sadd.s32 $0xF0, s10  }
0xe: {  	s14 =	sshrl.u32 s16, $0x1;
	s17 =	sadd.s32 s5, s13;
	[dreg:$0x14] =	wrdreg s31  }
0xf: {  	s0 =	sadd.s32 s12, s0;
	s18 =	sadd.s32 s6, s13;
	[dreg:$0x6] =	wrdreg s17  }
0x10: {  	s12 =	ssub.s32 s16, s14;
	s26 =	sadd.s32 $0x64400, s0;
	[dreg:$0x7] =	wrdreg s18  }
0x11: {  	s19 =	sadd.s32 $0xA, s13;
	s16 =	sadd.s32 $0x644FA, s0;
	[dreg:$0xc] =	wrdreg s26  }
0x12: {  	s24 =	smul.u32 $0x50000, s11;
	s20 =	sadd.s32 s5, s19;
	[dreg:$0xd] =	wrdreg s16  }
0x13: {  	s13 =	sadd.s32 $0x14, s13;
	s21 =	sadd.s32 s6, s19;
	[dreg:$0x8] =	wrdreg s20  }
0x14: {  	s15 =	smul.u32 $0x14000, s11;
	s23 =	sadd.s32 s5, s13;
	[dreg:$0x9] =	wrdreg s21  }
0x15: {  	s9 =	smul.u32 $0x138800, s9;
	s25 =	sadd.s32 s6, s13;
	[dreg:$0xa] =	wrdreg s23  }
0x16: {  	p0 =	sne.s32 s11, $0x0;
	s17 =	sadd.s32 $0x645F4, s0;
	[dreg:$0xb] =	wrdreg s25  }
0x17: {  	s11 =	simm.s32 $0x7;
	s18 =	sadd.s32 $0x646EE, s0;
	[dreg:$0xe] =	wrdreg s17  }
0x18: {  	s0 =	sadd.s32 $0x647E8, s0;
	s19 =	smax.u32 s12, $0x1;
	[dreg:$0xf] =	wrdreg s18  }
0x19: {  	s13 =	simm.s32 $0x200;
	s16 =	simm.s32 $0x2B00;
	[dreg:$0x10] =	wrdreg s0  }
0x1a: {  	[dreg:$0x11] =	wrdreg s19;
	s20 =	sshrl.u32 s24, $0x2;
	s21 =	sadd.s32 s15, s9  }
0x1b: {  	s23 =	sadd.s32 $0x190, s10;
	s24 =	sadd.s32 $0x140, s10;
	s10 =	simm.s32 $0x7B80  }
0x1c: {  	s15 =	simm.s32 $0x50;
	s17 =	simm.s32 $0x1;
	s18 =	simm.s32 $0x7B00  }
0x1d: {  	s19 =	simm.s32 $0x0;
	[dreg:$0x12] =	wrdreg s21;
	s14 =	sadd.s32 s20, s2  }
0x1e: {  	s25 =	sshrl.u32 s23, $0x3;
	s26 =	sshrl.u32 s24, $0x3;
	s21 =	sadd.s32 $0x7D0, s3  }
0x1f: {  	s23 =	sadd.s32 s25, s6;
	s24 =	sadd.s32 s25, s5;
	[dreg:$0x13] =	wrdreg s14  }
0x20: {  	v0 =	vimm.f32 $0.0e+00;
	v1 =	vimm.f32 $1.000000000e+00;
	s25 =	sadd.s32 s26, s6;
	s26 =	sadd.s32 s26, s5;
	[dreg:$0x15] =	wrdreg s21  }
.LBB2_1:
0x21: {  	s12 =	simm.s32 $0x0;
	s20 =	simm.s32 $0x200  }
.LBB2_2:
0x22: {  	p1 =	sne.s32 s20, $0x9E00;
	[tilespmem:s12+$0x7BF0] =	vst v0  }
0x23: {  	[tilespmem:s12+$0x7B80] =	vst v0  }
0x24: {  	[tilespmem:s12+$0x7B90] =	vst v0  }
.Ltmp0:
0x25: {  	[tilespmem:s12+$0x7BA0] =	vst v0;
	(pc) =	sbr.rel @p1 .LBB2_2-.Ltmp0, $4  }
0x26: {  	[tilespmem:s12+$0x7BB0] =	vst v0  }
0x27: {  	[tilespmem:s12+$0x7BC0] =	vst v0  }
0x28: {  	[tilespmem:s12+$0x7BD0] =	vst v0  }
0x29: {  	[tilespmem:s12+$0x7BE0] =	vst v0;
	s12 =	sshra.s32 s20, $0x2;
	s20 =	sadd.s32 $0x200, s20  }
0x2a: {  	[tilespmem:s12+$0x7BF0] =	vst v0  }
0x2b: {  	[tilespmem:s12+$0x7B80] =	vst v0  }
0x2c: {  	[tilespmem:s12+$0x7B90] =	vst v0  }
0x2d: {  	[tilespmem:s12+$0x7BA0] =	vst v0  }
0x2e: {  	[tilespmem:s12+$0x7BB0] =	vst v0  }
0x2f: {  	[tilespmem:s12+$0x7BC0] =	vst v0  }
0x30: {  	[tilespmem:s12+$0x7BD0] =	vst v0  }
0x31: {  	[tilespmem:s12+$0x7BE0] =	vst v0  }
0x32: {  	[tilespmem:$0x7B00] =	vst v1  }
0x33: {  	[tilespmem:$0x7B10] =	vst v1  }
0x34: {  	[tilespmem:$0x7B20] =	vst v1  }
0x35: {  	[tilespmem:$0x7B30] =	vst v1  }
0x36: {  	s12 =	simm.s32 $0x40;
	s20 =	simm.s32 $0x0;
	[tilespmem:$0x7B40] =	vst v1  }
.LBB2_4:
0x37: {  	p1 =	sne.s32 s12, $0x1F00;
	[tilespmem:s20+$0xA380] =	vst v0;
	s20 =	smov.u32 s12;
	s12 =	sadd.s32 $0x40, s12  }
.Ltmp1:
0x38: {  	(pc) =	sbr.rel @p1 .LBB2_4-.Ltmp1, $2  }
0x39: {  	_ =	sdelay $0x2  }
0x3a: {  	s20 =	sshra.s32 s20, $0x2  }
0x3b: {  	p1 =	sne.s32 s22, $0x1  }
.Ltmp2:
0x3c: {  	_ = 	snop;
	(pc) =	sbr.rel @!p1 .LBB2_7-.Ltmp2, $4  }
0x3d: {  	[tilespmem:s20+$0xA380] =	vst v0  }
0x3e: {  	[spmem:s14] =	stream.linear.scatter [tilespmem:s10], [sflag:$0x7], $0x2800, $0x38;
	[tilespmem:$0x1E6F8] =	vst v63  }
0x3f: {  	_ =	swait.ge [sflag:s11], $0x2800  }
0x40: {  	s12 =	sadd.s32 $0xFFFFFFFF, s22;
	s20 =	smov.u32 s14;
	[sflag:s11] =	ssyncset.done $0x0  }
.LBB2_6:
0x41: {  	p2 =	sne.s32 s12, $0x1;
	[sflag:s11] =	ssyncadd.s32 $0xFFFFD800;
	s20 =	sadd.s32 $0x2800, s20  }
.Ltmp3:
0x42: {  	s12 =	sadd.s32 $0xFFFFFFFF, s12;
	(pc) =	sbr.rel @p2 .LBB2_6-.Ltmp3, $4  }
0x43: {  	_ = 	snop  }
0x44: {  	[spmem:s20] =	stream.linear.scatter [tilespmem:s10], [sflag:$0x7], $0x2800, $0x38;
	[tilespmem:$0x1E6F8] =	vst v63  }
0x45: {  	_ =	swait.ge [sflag:s11], $0x2800  }
0x46: {  	[sflag:s11] =	ssyncset.done $0x0  }
.LBB2_7:
0x47: {  	[sflag:s11] =	ssyncadd.s32 $0xFFFFD800;
	s12 =	simm.s32 @!p0 $0xA380;
	s20 =	simm.s32 @!p0 $0x7  }
0x48: {  	[spmem:s3] =	stream.linear.scatter @!p0 [tilespmem:s12], [sflag:$0x7], $0x7D0, $0x38;
	[tilespmem:$0x1E6F8] =	vst v63  }
0x49: {  	_ =	swait.ge @!p0 [sflag:s20], $0x7D0  }
0x4a: {  	[sflag:s20] =	ssyncset.done @!p0 $0x0  }
0x4b: {  	[sflag:s20] =	ssyncadd.s32 @!p0 $0xFFFFF830  }
0x4c: {  	[spmem:s21] =	stream.linear.scatter @!p0 [tilespmem:s12], [sflag:$0x7], $0x7D0, $0x38;
	[tilespmem:$0x1E6F8] =	vst v63  }
0x4d: {  	_ =	swait.ge @!p0 [sflag:s20], $0x7D0  }
0x4e: {  	[sflag:s20] =	ssyncset.done @!p0 $0x0  }
0x4f: {  	[sflag:s20] =	ssyncadd.s32 @!p0 $0xFFFFF830  }
0x50: {  	[spmem:s28] =	stream.linear.scatter @!p0 [tilespmem:s12], [sflag:$0x7], $0x7D0, $0x38;
	[tilespmem:$0x1E6F8] =	vst v63  }
0x51: {  	_ =	swait.ge @!p0 [sflag:s20], $0x7D0  }
0x52: {  	[sflag:s20] =	ssyncset.done @!p0 $0x0  }
0x53: {  	[sflag:s20] =	ssyncadd.s32 @!p0 $0xFFFFF830  }
0x54: {  	[spmem:s29] =	stream.linear.scatter @!p0 [tilespmem:s12], [sflag:$0x7], $0x7D0, $0x38;
	[tilespmem:$0x1E6F8] =	vst v63  }
0x55: {  	_ =	swait.ge @!p0 [sflag:s20], $0x7D0  }
0x56: {  	[sflag:s20] =	ssyncset.done @!p0 $0x0  }
0x57: {  	[sflag:s20] =	ssyncadd.s32 @!p0 $0xFFFFF830  }
0x58: {  	[spmem:s30] =	stream.linear.scatter @!p0 [tilespmem:s12], [sflag:$0x7], $0x7D0, $0x38;
	[tilespmem:$0x1E6F8] =	vst v63  }
0x59: {  	_ =	swait.ge @!p0 [sflag:s20], $0x7D0  }
0x5a: {  	[sflag:s20] =	ssyncset.done @!p0 $0x0  }
0x5b: {  	[sflag:s20] =	ssyncadd.s32 @!p0 $0xFFFFF830  }
0x5c: {  	[bflag:$0x0] =	sbarrier.arrive $0xFFFF  }
0x5d: {  	s20 =	simm.s32 $0x0;
	s0 =	rddreg [dreg:$0x6]  }
0x5e: {  	[tilespmem:s20], [sflag:$0x4] =	stream.linear.gather [hbm4b:s0+s20], $0x50, $0x38;
	[tilespmem:$0x1E6F8] =	vst v63  }
0x5f: {  	s8 =	simm.s32 $0x180;
	s29 =	rddreg [dreg:$0x7]  }
0x60: {  	[tilespmem:s8], [sflag:$0x4] =	stream.linear.gather [hbm4b:s29+s20], $0x50, $0x38;
	[tilespmem:$0x1E6F8] =	vst v63  }
0x61: {  	s31 =	simm.s32 $0x80;
	s30 =	rddreg [dreg:$0x8]  }
0x62: {  	[tilespmem:s31], [sflag:$0x5] =	stream.linear.gather [hbm4b:s30+s20], $0x50, $0x38;
	[tilespmem:$0x1E6F8] =	vst v63  }
0x63: {  	s12 =	simm.s32 $0x4;
	s9 =	rddreg [dreg:$0x9]  }
0x64: {  	[tilespmem:s13], [sflag:$0x5] =	stream.linear.gather [hbm4b:s9+s20], $0x50, $0x38;
	[tilespmem:$0x1E6F8] =	vst v63  }
0x65: {  	_ =	swait.ge [sflag:s12], $0x50  }
0x66: {  	[sflag:s12] =	ssyncset.done $0x0  }
0x67: {  	[sflag:s12] =	ssyncadd.s32 $0xFFFFFFB0  }
0x68: {  	_ =	swait.ge [sflag:s12], $0x50  }
0x69: {  	[sflag:s12] =	ssyncset.done $0x0  }
0x6a: {  	s14 =	simm.s32 $0x300;
	s21 =	simm.s32 $0x5;
	[sflag:s12] =	ssyncadd.s32 $0xFFFFFFB0  }
0x6b: {  	[tilespmem:s14], [sflag:$0x1] =	stream.indirect.gather [hbm4b:s1+s15], $0x80, s20, s15, $0xb8;
	[tilespmem:$0x1E6F8] =	vst v63  }
0x6c: {  	_ =	swait.ge [sflag:s21], $0x50  }
0x6d: {  	[sflag:s21] =	ssyncset.done $0x0  }
0x6e: {  	[sflag:s21] =	ssyncadd.s32 $0xFFFFFFB0  }
0x6f: {  	_ =	swait.ge [sflag:s21], $0x50  }
0x70: {  	[sflag:s21] =	ssyncset.done $0x0  }
0x71: {  	s22 =	rddreg [dreg:$0xa];
	[sflag:s21] =	ssyncadd.s32 $0xFFFFFFB0  }
0x72: {  	[tilespmem:s16], [sflag:$0x2] =	stream.indirect.gather [hbm4b:s1+s15], $0x80, s31, s15, $0xb8;
	[tilespmem:$0x1E6F8] =	vst v63  }
0x73: {  	s29 =	simm.s32 $0x100;
	s30 =	rddreg [dreg:$0xb]  }
0x74: {  	[tilespmem:s29], [sflag:$0x6] =	stream.linear.gather [hbm4b:s22+s20], $0x50, $0x38;
	[tilespmem:$0x1E6F8] =	vst v63  }
0x75: {  	s12 =	simm.s32 $0x0;
	s28 =	rddreg [dreg:$0x14];
	s31 =	simm.s32 $0x280  }
0x76: {  	[tilespmem:s31], [sflag:$0x6] =	stream.linear.gather [hbm4b:s30+s20], $0x50, $0x38;
	[tilespmem:$0x1E6F8] =	vst v63  }
.LBB2_8:
0x77: {  	_ =	swait.ge [sflag:s17], $0x2800;
	p2 =	seq.s32 s20, $0x4CE  }
0x78: {  	[sflag:s17] =	ssyncset.done $0x0;
	s21 =	simm.s32 @p2 $0x50  }
0x79: {  	s30 =	simm.s32 @p2 $0x180;
	s31 =	simm.s32 @p2 $0x300;
	[sflag:s17] =	ssyncadd.s32 $0xFFFFD800  }
0x7a: {  	[spmem:s2] =	stream.indirect.scatter.add.f32 @p2 [tilespmem:s31], [sflag:$0x7], $0x80, s30, s21, $0xb8;
	[tilespmem:$0x1E6F8] =	vst v63  }
0x7b: {  	s31 =	simm.s32 @p2 $0x7  }
0x7c: {  	_ =	swait.ge @p2 [sflag:s31], $0x2800  }
0x7d: {  	[sflag:s31] =	ssyncset.done @p2 $0x0  }
0x7e: {  	s0 =	simm.s32 @p2 $0x7B00;
	[sflag:s31] =	ssyncadd.s32 @p2 $0xFFFFD800  }
0x7f: {  	[spmem:s3] =	stream.indirect.scatter.add.f32 @p2 [tilespmem:s0], [sflag:$0x7], $0x1, s30, s21, $0xb8;
	[tilespmem:$0x1E6F8] =	vst v63  }
0x80: {  	_ =	swait.ge @p2 [sflag:s31], $0x50  }
0x81: {  	[sflag:s31] =	ssyncset.done @p2 $0x0  }
0x82: {  	s0 =	simm.s32 @p2 $0x2;
	[sflag:s31] =	ssyncadd.s32 @p2 $0xFFFFFFB0  }
0x83: {  	_ =	swait.ge @p2 [sflag:s0], $0x2800  }
0x84: {  	[sflag:s0] =	ssyncset.done @p2 $0x0  }
0x85: {  	[sflag:s0] =	ssyncadd.s32 @p2 $0xFFFFD800;
	s0 =	simm.s32 @!p2 $0x6  }
0x86: {  	_ =	swait.ge @!p2 [sflag:s0], $0x50  }
0x87: {  	[sflag:s0] =	ssyncset.done @!p2 $0x0  }
0x88: {  	[sflag:s0] =	ssyncadd.s32 @!p2 $0xFFFFFFB0  }
0x89: {  	_ =	swait.ge @!p2 [sflag:s0], $0x50  }
0x8a: {  	s21 =	simm.s32 @!p2 $0x50;
	[sflag:s0] =	ssyncset.done @!p2 $0x0  }
0x8b: {  	s31 =	simm.s32 @!p2 $0x5300;
	[sflag:s0] =	ssyncadd.s32 @!p2 $0xFFFFFFB0;
	s0 =	simm.s32 @!p2 $0x100  }
0x8c: {  	[tilespmem:s31], [sflag:$0x3] =	stream.indirect.gather @!p2 [hbm4b:s1+s21], $0x80, s0, s21, $0xb8;
	[tilespmem:$0x1E6F8] =	vst v63  }
0x8d: {  	s9 =	simm.s32 @!p2 $0x300;
	s30 =	simm.s32 @!p2 $0x7;
	s0 =	simm.s32 @!p2 $0x180  }
0x8e: {  	[spmem:s2] =	stream.indirect.scatter.add.f32 @!p2 [tilespmem:s9], [sflag:$0x7], $0x80, s0, s21, $0xb8;
	[tilespmem:$0x1E6F8] =	vst v63  }
0x8f: {  	_ =	swait.ge @!p2 [sflag:s30], $0x2800  }
0x90: {  	[sflag:s30] =	ssyncset.done @!p2 $0x0  }
0x91: {  	s8 =	simm.s32 @!p2 $0x7B00;
	[sflag:s30] =	ssyncadd.s32 @!p2 $0xFFFFD800  }
0x92: {  	[spmem:s3] =	stream.indirect.scatter.add.f32 @!p2 [tilespmem:s8], [sflag:$0x7], $0x1, s0, s21, $0xb8;
	[tilespmem:$0x1E6F8] =	vst v63  }
0x93: {  	_ =	swait.ge @!p2 [sflag:s30], $0x50  }
0x94: {  	s29 =	sshrl.u32 @!p2 s28, $0x3;
	[sflag:s30] =	ssyncset.done @!p2 $0x0  }
0x95: {  	s22 =	simm.s32 @!p2 $0x0;
	s14 =	sadd.s32 @!p2 s5, s29;
	[sflag:s30] =	ssyncadd.s32 @!p2 $0xFFFFFFB0  }
0x96: {  	[tilespmem:s22], [sflag:$0x4] =	stream.linear.gather @!p2 [hbm4b:s14+s22], $0x50, $0x38;
	[tilespmem:$0x1E6F8] =	vst v63  }
0x97: {  	s14 =	sadd.s32 @!p2 s6, s29  }
0x98: {  	[tilespmem:s0], [sflag:$0x4] =	stream.linear.gather @!p2 [hbm4b:s14+s22], $0x50, $0x38;
	[tilespmem:$0x1E6F8] =	vst v63  }
0x99: {  	s0 =	simm.s32 @!p2 $0x2  }
0x9a: {  	_ =	swait.ge @!p2 [sflag:s0], $0x2800  }
0x9b: {  	[sflag:s0] =	ssyncset.done @!p2 $0x0  }
0x9c: {  	[sflag:s0] =	ssyncadd.s32 @!p2 $0xFFFFD800;
	s0 =	simm.s32 @!p2 $0x4  }
0x9d: {  	_ =	swait.ge @!p2 [sflag:s0], $0x50  }
0x9e: {  	[sflag:s0] =	ssyncset.done @!p2 $0x0  }
0x9f: {  	[sflag:s0] =	ssyncadd.s32 @!p2 $0xFFFFFFB0  }
0xa0: {  	_ =	swait.ge @!p2 [sflag:s0], $0x50  }
0xa1: {  	[sflag:s0] =	ssyncset.done @!p2 $0x0  }
0xa2: {  	[sflag:s0] =	ssyncadd.s32 @!p2 $0xFFFFFFB0  }
0xa3: {  	[tilespmem:s9], [sflag:$0x1] =	stream.indirect.gather @!p2 [hbm4b:s1+s21], $0x80, s22, s21, $0xb8;
	[tilespmem:$0x1E6F8] =	vst v63  }
0xa4: {  	_ = 	snop  }
0xa5: {  	[spmem:s2] =	stream.indirect.scatter.add.f32 [tilespmem:s16], [sflag:$0x7], $0x80, s13, s15, $0xb8;
	[tilespmem:$0x1E6F8] =	vst v63  }
0xa6: {  	_ =	swait.ge [sflag:s11], $0x2800  }
0xa7: {  	[sflag:s11] =	ssyncset.done $0x0  }
0xa8: {  	[sflag:s11] =	ssyncadd.s32 $0xFFFFD800  }
0xa9: {  	[spmem:s3] =	stream.indirect.scatter.add.f32 [tilespmem:s18], [sflag:$0x7], $0x1, s13, s15, $0xb8;
	[tilespmem:$0x1E6F8] =	vst v63  }
0xaa: {  	_ =	swait.ge [sflag:s11], $0x50  }
0xab: {  	[sflag:s11] =	ssyncset.done $0x0  }
0xac: {  	s0 =	sadd.s32 @!p2 s20, s26;
	s9 =	simm.s32 @!p2 $0x80;
	[sflag:s11] =	ssyncadd.s32 $0xFFFFFFB0  }
0xad: {  	[tilespmem:s9], [sflag:$0x5] =	stream.linear.gather @!p2 [hbm4b:s0+s22], $0x50, $0x38;
	[tilespmem:$0x1E6F8] =	vst v63  }
0xae: {  	s14 =	simm.s32 @!p2 $0x200;
	s0 =	sadd.s32 @!p2 s20, s25  }
0xaf: {  	[tilespmem:s14], [sflag:$0x5] =	stream.linear.gather @!p2 [hbm4b:s0+s22], $0x50, $0x38;
	[tilespmem:$0x1E6F8] =	vst v63  }
0xb0: {  	s0 =	simm.s32 @!p2 $0x3  }
0xb1: {  	_ =	swait.ge @!p2 [sflag:s0], $0x2800  }
0xb2: {  	[sflag:s0] =	ssyncset.done @!p2 $0x0  }
0xb3: {  	[sflag:s0] =	ssyncadd.s32 @!p2 $0xFFFFD800;
	s0 =	simm.s32 @!p2 $0x5  }
0xb4: {  	_ =	swait.ge @!p2 [sflag:s0], $0x50  }
0xb5: {  	[sflag:s0] =	ssyncset.done @!p2 $0x0  }
0xb6: {  	[sflag:s0] =	ssyncadd.s32 @!p2 $0xFFFFFFB0  }
0xb7: {  	_ =	swait.ge @!p2 [sflag:s0], $0x50  }
0xb8: {  	[sflag:s0] =	ssyncset.done @!p2 $0x0  }
0xb9: {  	[sflag:s0] =	ssyncadd.s32 @!p2 $0xFFFFFFB0;
	s0 =	simm.s32 @!p2 $0x2B00  }
0xba: {  	[tilespmem:s0], [sflag:$0x2] =	stream.indirect.gather @!p2 [hbm4b:s1+s21], $0x80, s9, s21, $0xb8;
	[tilespmem:$0x1E6F8] =	vst v63  }
0xbb: {  	s0 =	simm.s32 @!p2 $0x280  }
0xbc: {  	[spmem:s2] =	stream.indirect.scatter.add.f32 @!p2 [tilespmem:s31], [sflag:$0x7], $0x80, s0, s21, $0xb8;
	[tilespmem:$0x1E6F8] =	vst v63  }
0xbd: {  	_ =	swait.ge @!p2 [sflag:s30], $0x2800  }
0xbe: {  	[sflag:s30] =	ssyncset.done @!p2 $0x0  }
0xbf: {  	p3 =	sgt.u32 @!p2 s12, $0x27;
	[sflag:s30] =	ssyncadd.s32 @!p2 $0xFFFFD800  }
0xc0: {  	[spmem:s3] =	stream.indirect.scatter.add.f32 @!p2 [tilespmem:s8], [sflag:$0x7], $0x1, s0, s21, $0xb8;
	[tilespmem:$0x1E6F8] =	vst v63  }
0xc1: {  	p3 =	por p3, p2;
	_ =	swait.ge @!p2 [sflag:s30], $0x50  }
0xc2: {  	s9 =	simm.s32 @!p3 $0x100;
	[sflag:s30] =	ssyncset.done @!p2 $0x0  }
0xc3: {  	s0 =	sadd.s32 @!p3 s20, s24;
	s8 =	simm.s32 @!p3 $0x0;
	[sflag:s30] =	ssyncadd.s32 @!p2 $0xFFFFFFB0  }
0xc4: {  	[tilespmem:s9], [sflag:$0x6] =	stream.linear.gather @!p3 [hbm4b:s0+s8], $0x50, $0x38;
	[tilespmem:$0x1E6F8] =	vst v63  }
0xc5: {  	s0 =	sadd.s32 @!p3 s20, s23;
	s9 =	simm.s32 @!p3 $0x280;
	s20 =	sadd.s32 @!p2 $0x1E, s20  }
0xc6: {  	[tilespmem:s9], [sflag:$0x6] =	stream.linear.gather @!p3 [hbm4b:s0+s8], $0x50, $0x38;
	[tilespmem:$0x1E6F8] =	vst v63  }
0xc7: {  	p3 =	sne.s32 @!p2 s20, $0x4EC  }
0xc8: {  	p3 =	por p2, !p3  }
.Ltmp4:
0xc9: {  	_ = 	snop;
	(pc) =	sbr.rel @!p3 .LBB2_8-.Ltmp4, $2  }
0xca: {  	_ =	sdelay $0x2  }
0xcb: {  	s12 =	sadd.s32 @!p2 $0x1, s12;
	s28 =	sadd.s32 @!p2 $0xF0, s28  }
0xcc: {  	[bflag:$0x0] =	sbarrier.arrive $0xFFFF  }
0xcd: {  	s14 =	rddreg [dreg:$0x13]  }
0xce: {  	[tilespmem:s10], [sflag:$0x7] =	stream.linear.gather [spmem:s14], $0x2800, $0x38;
	[tilespmem:$0x1E6F8] =	vst v63  }
0xcf: {  	_ =	swait.ge [sflag:s11], $0x2800  }
0xd0: {  	s20 =	rddreg [dreg:$0x12]  }
0xd1: {  	[sflag:s11] =	ssyncset.done $0x0;
	s0 =	sshrl.u32 s20, $0x3  }
.Ltmp5:
0xd2: {  	[sflag:s11] =	ssyncadd.s32 $0xFFFFD800;
	s0 =	sadd.s32 s7, s0;
	(pc) =	sbr.rel @!p1 .LBB2_11-.Ltmp5, $4  }
0xd3: {  	[hbm4b:s0+s4] =	stream.linear.scatter [tilespmem:s10], [sflag:$0x7], $0x2800, $0x38;
	[tilespmem:$0x1E6F8] =	vst v63  }
0xd4: {  	_ =	swait.ge [sflag:s11], $0x2800  }
0xd5: {  	s22 =	rddreg [dreg:$0x5]  }
0xd6: {  	s21 =	smov.u32 s14;
	[sflag:s11] =	ssyncset.done $0x0;
	s12 =	sadd.s32 $0xFFFFFFFF, s22  }
.LBB2_10:
0xd7: {  	[sflag:s11] =	ssyncadd.s32 $0xFFFFD800;
	s20 =	sadd.s32 $0x2800, s20;
	s21 =	sadd.s32 $0x2800, s21  }
0xd8: {  	[tilespmem:s10], [sflag:$0x7] =	stream.linear.gather [spmem:s21], $0x2800, $0x38;
	[tilespmem:$0x1E6F8] =	vst v63  }
0xd9: {  	p1 =	sne.s32 s12, $0x1;
	s12 =	sadd.s32 $0xFFFFFFFF, s12;
	_ =	swait.ge [sflag:s11], $0x2800  }
.Ltmp6:
0xda: {  	s0 =	sshrl.u32 s20, $0x3;
	[sflag:s11] =	ssyncset.done $0x0;
	(pc) =	sbr.rel @p1 .LBB2_10-.Ltmp6, $4  }
0xdb: {  	s0 =	sadd.s32 s7, s0;
	[sflag:s11] =	ssyncadd.s32 $0xFFFFD800  }
0xdc: {  	[hbm4b:s0+s4] =	stream.linear.scatter [tilespmem:s10], [sflag:$0x7], $0x2800, $0x38;
	[tilespmem:$0x1E6F8] =	vst v63  }
0xdd: {  	_ =	swait.ge [sflag:s11], $0x2800  }
0xde: {  	[sflag:s11] =	ssyncset.done $0x0  }
.LBB2_11:
0xdf: {  	[sflag:s11] =	ssyncadd.s32 $0xFFFFD800;
	s0 =	simm.s32 @!p0 $0xA380;
	s8 =	simm.s32 @!p0 $0x7  }
0xe0: {  	[tilespmem:s0], [sflag:$0x7] =	stream.linear.gather @!p0 [spmem:s3], $0x7D0, $0x38;
	[tilespmem:$0x1E6F8] =	vst v63  }
0xe1: {  	_ =	swait.ge @!p0 [sflag:s8], $0x7D0  }
0xe2: {  	[sflag:s8] =	ssyncset.done @!p0 $0x0  }
0xe3: {  	s9 =	simm.s32 @!p0 $0x0;
	s12 =	rddreg [dreg:$0xc];
	[sflag:s8] =	ssyncadd.s32 @!p0 $0xFFFFF830  }
0xe4: {  	[hbm4b:s12+s9] =	stream.linear.scatter @!p0 [tilespmem:s0], [sflag:$0x7], $0x7D0, $0x38;
	[tilespmem:$0x1E6F8] =	vst v63  }
0xe5: {  	_ =	swait.ge @!p0 [sflag:s8], $0x7D0  }
0xe6: {  	[sflag:s8] =	ssyncset.done @!p0 $0x0  }
0xe7: {  	s21 =	rddreg [dreg:$0x15];
	[sflag:s8] =	ssyncadd.s32 @!p0 $0xFFFFF830  }
0xe8: {  	[tilespmem:s0], [sflag:$0x7] =	stream.linear.gather @!p0 [spmem:s21], $0x7D0, $0x38;
	[tilespmem:$0x1E6F8] =	vst v63  }
0xe9: {  	_ =	swait.ge @!p0 [sflag:s8], $0x7D0  }
0xea: {  	[sflag:s8] =	ssyncset.done @!p0 $0x0  }
0xeb: {  	s12 =	rddreg [dreg:$0xd];
	[sflag:s8] =	ssyncadd.s32 @!p0 $0xFFFFF830  }
0xec: {  	[hbm4b:s12+s9] =	stream.linear.scatter @!p0 [tilespmem:s0], [sflag:$0x7], $0x7D0, $0x38;
	[tilespmem:$0x1E6F8] =	vst v63  }
0xed: {  	_ =	swait.ge @!p0 [sflag:s8], $0x7D0  }
0xee: {  	[sflag:s8] =	ssyncset.done @!p0 $0x0  }
0xef: {  	s28 =	rddreg [dreg:$0x16];
	[sflag:s8] =	ssyncadd.s32 @!p0 $0xFFFFF830  }
0xf0: {  	[tilespmem:s0], [sflag:$0x7] =	stream.linear.gather @!p0 [spmem:s28], $0x7D0, $0x38;
	[tilespmem:$0x1E6F8] =	vst v63  }
0xf1: {  	_ =	swait.ge @!p0 [sflag:s8], $0x7D0  }
0xf2: {  	[sflag:s8] =	ssyncset.done @!p0 $0x0  }
0xf3: {  	s12 =	rddreg [dreg:$0xe];
	[sflag:s8] =	ssyncadd.s32 @!p0 $0xFFFFF830  }
0xf4: {  	[hbm4b:s12+s9] =	stream.linear.scatter @!p0 [tilespmem:s0], [sflag:$0x7], $0x7D0, $0x38;
	[tilespmem:$0x1E6F8] =	vst v63  }
0xf5: {  	_ =	swait.ge @!p0 [sflag:s8], $0x7D0  }
0xf6: {  	[sflag:s8] =	ssyncset.done @!p0 $0x0  }
0xf7: {  	s29 =	rddreg [dreg:$0x17];
	[sflag:s8] =	ssyncadd.s32 @!p0 $0xFFFFF830  }
0xf8: {  	[tilespmem:s0], [sflag:$0x7] =	stream.linear.gather @!p0 [spmem:s29], $0x7D0, $0x38;
	[tilespmem:$0x1E6F8] =	vst v63  }
0xf9: {  	_ =	swait.ge @!p0 [sflag:s8], $0x7D0  }
0xfa: {  	[sflag:s8] =	ssyncset.done @!p0 $0x0  }
0xfb: {  	s12 =	rddreg [dreg:$0xf];
	[sflag:s8] =	ssyncadd.s32 @!p0 $0xFFFFF830  }
0xfc: {  	[hbm4b:s12+s9] =	stream.linear.scatter @!p0 [tilespmem:s0], [sflag:$0x7], $0x7D0, $0x38;
	[tilespmem:$0x1E6F8] =	vst v63  }
0xfd: {  	_ =	swait.ge @!p0 [sflag:s8], $0x7D0  }
0xfe: {  	[sflag:s8] =	ssyncset.done @!p0 $0x0  }
0xff: {  	s30 =	rddreg [dreg:$0x18];
	[sflag:s8] =	ssyncadd.s32 @!p0 $0xFFFFF830  }
0x100: {  	[tilespmem:s0], [sflag:$0x7] =	stream.linear.gather @!p0 [spmem:s30], $0x7D0, $0x38;
	[tilespmem:$0x1E6F8] =	vst v63  }
0x101: {  	_ =	swait.ge @!p0 [sflag:s8], $0x7D0  }
0x102: {  	[sflag:s8] =	ssyncset.done @!p0 $0x0  }
0x103: {  	s12 =	rddreg [dreg:$0x10];
	[sflag:s8] =	ssyncadd.s32 @!p0 $0xFFFFF830  }
0x104: {  	[hbm4b:s12+s9] =	stream.linear.scatter @!p0 [tilespmem:s0], [sflag:$0x7], $0x7D0, $0x38;
	[tilespmem:$0x1E6F8] =	vst v63  }
0x105: {  	_ =	swait.ge @!p0 [sflag:s8], $0x7D0  }
0x106: {  	s19 =	sadd.s32 $0x1, s19;
	s31 =	rddreg [dreg:$0x11]  }
0x107: {  	p1 =	sne.s32 s19, s31  }
.Ltmp7:
0x108: {  	_ = 	snop;
	(pc) =	sbr.rel @p1 .LBB2_1-.Ltmp7, $3  }
0x109: {  	_ =	sdelay $0x1  }
0x10a: {  	[sflag:s8] =	ssyncset.done @!p0 $0x0  }
0x10b: {  	[sflag:s8] =	ssyncadd.s32 @!p0 $0xFFFFF830  }
0x10c: {  	_ =	sfence.sel $0x180000  }
0x10d: {  	[bflag:$0x0] =	sbarrier.arrive $0xFFFF  }
0x10e: {  	_ =	strace $0x90000047  }
0x10f: {  	[bflag:$0x2] =	sbarrier.arrive $0xFFFF  }
0x110: {  	s0 =	rddreg [dreg:$0x4]  }
0x111: {  	s0 =	sadd.s32 @!p0 $0x100000, s0  }
0x112: {  	[sflag:s0] =	ssyncadd.tile.s32 @!p0 $0x1;
	_ =	shalt  }
.Lfunc_end2:
_tile_overlayer_lowered:
.L_overlay_start_2:
0x113: {  	(tag) =	ssettag $0x2  }
0x114: {  	s0 =	rddreg [dreg:$0x0];
	s2 =	stileid.u32  }
0x115: {  	s1 =	rddreg [dreg:$0x1];
	p0 =	sne.s32 s2, $0x0  }
0x116: {  	s3 =	rddreg [dreg:$0x2];
	[bflag:$0x3] =	sbarrier.arrive $0xFFFF;
	s2 =	simm.s32 @!p0 $0x1C07  }
0x117: {  	[timem:s3], [sflag:s2] =	dma.local @!p0 [hbm:s0], s1  }
0x118: {  	s0 =	simm.s32 @!p0 $0x7  }
0x119: {  	_ =	swait.ge @!p0 [sflag:s0], s1  }
0x11a: {  	s1 =	ssub.s32 @!p0 $0x0, s1;
	[sflag:s0] =	ssyncset.done @!p0 $0x0  }
0x11b: {  	[sflag:s0] =	ssyncadd.s32 @!p0 s1  }
0x11c: {  	[bflag:$0x3] =	sbarrier.arrive $0xFFFF  }
0x11d: {  	_ =	shalt  }

</sc_bundles>
